<compile_context>
chip_gen: v7x
topology: tpu7x:2x2x1
jax: 0.10.2.dev20260603
libtpu: 0.0.44.dev20260713+nightly
codegen_flags: <defaults>
</compile_context>

<pallas_src>
import functools

import jax
import jax.numpy as jnp
from jax import lax
from jax.experimental import pallas as pl
from jax.experimental.pallas import tpu as pltpu
from jax.experimental.pallas import tpu_sc as plsc

N = 10000
E = 320000
D = 128
NC = 2
NS = 16
NW = NC * NS
EPT = E // NW
CH = 125
NCHUNK = EPT // CH
CH2 = 96
EPT2 = 10080
NCHUNK2 = EPT2 // CH2
NRING = 3
NP = 10240
RPT = NP // NS

def _mesh():
    return plsc.VectorSubcoreMesh(core_axis_name="c", subcore_axis_name="s")


def _sc_degree(dst_r, ones_ch, zeros_n):

    @functools.partial(
        pl.kernel,
        mesh=_mesh(),
        out_type=jax.ShapeDtypeStruct((NC, 1, N), jnp.float32),
        scratch_types=[
            pltpu.VMEM((NCHUNK, CH), jnp.int32),
            pltpu.VMEM((CH,), jnp.float32),
            pltpu.VMEM_SHARED((N,), jnp.float32),
        ],
    )
    def k(dst_hbm, ones_hbm, zeros_hbm, out_hbm, idx_v, ones_v, acc_s):
        cid = lax.axis_index("c")
        sid = lax.axis_index("s")
        wid = sid * NC + cid

        @pl.when(sid == 0)
        def _():
            pltpu.sync_copy(zeros_hbm, acc_s)

        pltpu.sync_copy(ones_hbm, ones_v)
        pltpu.sync_copy(dst_hbm.at[wid], idx_v)
        plsc.subcore_barrier()

        @pl.loop(0, NCHUNK)
        def _(j):
            pltpu.sync_copy(ones_v, acc_s.at[idx_v.at[j]], add=True)

        plsc.subcore_barrier()

        @pl.when(sid == 0)
        def _():
            pltpu.sync_copy(acc_s, out_hbm.at[cid, 0])

    return k(dst_r, ones_ch, zeros_n)


def _sc_scatter(hp, pe, zeros_rpt):

    @functools.partial(
        pl.kernel,
        mesh=_mesh(),
        out_type=jax.ShapeDtypeStruct((NC, NP, D), jnp.float32),
        scratch_types=[
            pltpu.VMEM((EPT2,), jnp.int32),
            pltpu.VMEM((CH2,), jnp.int32),
            pltpu.VMEM((CH2,), jnp.int32),
            pltpu.VMEM((CH2,), jnp.int32),
            pltpu.VMEM((CH2,), jnp.int32),
            pltpu.VMEM((CH2,), jnp.int32),
            pltpu.VMEM((CH2,), jnp.int32),
            pltpu.VMEM((CH2, D), jnp.float32),
            pltpu.VMEM((CH2, D), jnp.float32),
            pltpu.VMEM((CH2, D), jnp.float32),
            pltpu.VMEM_SHARED((NP, D), jnp.float32),
            pltpu.SemaphoreType.DMA,
            pltpu.SemaphoreType.DMA,
        ],
    )
    def k(hp_hbm, pe_hbm, z_hbm, out_hbm,
          pidx, s0, s1, s2, d0, d1, d2, r0, r1, r2, acc, gsem, ssem):
        cid = lax.axis_index("c")
        sid = lax.axis_index("s")
        wid = sid * NC + cid
        base = sid * RPT
        sbufs, dbufs, rbufs = (s0, s1, s2), (d0, d1, d2), (r0, r1, r2)

        pltpu.sync_copy(pe_hbm.at[wid], pidx)
        pltpu.sync_copy(z_hbm, acc.at[pl.ds(base, RPT), :])

        sh14 = jnp.full((16,), 14, jnp.int32)
        m14 = jnp.full((16,), 16383, jnp.int32)

        def unpack(c, t):
            for kk in range(CH2 // 16):
                p = pidx[pl.ds(c * CH2 + kk * 16, 16)]
                sbufs[t][pl.ds(kk * 16, 16)] = lax.shift_right_logical(p, sh14)
                dbufs[t][pl.ds(kk * 16, 16)] = lax.bitwise_and(p, m14)

        def g_start(t):
            pltpu.async_copy(hp_hbm.at[sbufs[t]], rbufs[t], gsem)

        def g_wait(t):
            pltpu.make_async_copy(hp_hbm.at[sbufs[t]], rbufs[t], gsem).wait()

        def s_start(t):
            pltpu.async_copy(rbufs[t], acc.at[dbufs[t]], ssem, add=True)

        def s_wait(t):
            pltpu.make_async_copy(rbufs[t], acc.at[dbufs[t]], ssem).wait()

        plsc.subcore_barrier()

        for t in range(NRING):
            unpack(t, t)
            g_start(t)

        @pl.loop(0, NCHUNK2, step=NRING)
        def _(j):
            for t in range(NRING):
                g_wait(t)
                s_start(t)

            for t in range(NRING):
                @pl.when(j + NRING + t < NCHUNK2)
                def _():
                    s_wait(t)
                    unpack(j + NRING + t, t)
                    g_start(t)

        for t in range(NRING):
            s_wait(t)
        plsc.subcore_barrier()
        pltpu.sync_copy(acc.at[pl.ds(base, RPT), :],
                        out_hbm.at[cid, pl.ds(base, RPT), :])

    return k(hp, pe, zeros_rpt)


_BLK = 2000


def _tc_hprime(x, W, degp2):

    def body(x_ref, w_ref, d_ref, o_ref):
        h = jnp.dot(x_ref[...], w_ref[...], preferred_element_type=jnp.float32)
        deg = 1.0 + d_ref[..., 0] + d_ref[..., 1]
        o_ref[...] = h * lax.rsqrt(deg)[:, None]

    return pl.pallas_call(
        body,
        grid=(N // _BLK,),
        in_specs=[
            pl.BlockSpec((_BLK, D), lambda i: (i, 0)),
            pl.BlockSpec((D, D), lambda i: (0, 0)),
            pl.BlockSpec((_BLK, 2), lambda i: (i, 0)),
        ],
        out_specs=pl.BlockSpec((_BLK, D), lambda i: (i, 0)),
        out_shape=jax.ShapeDtypeStruct((N, D), jnp.float32),
    )(x, W, degp2)


def _tc_finalize(sp, hp, degp2, b2):
    def body(s0_ref, s1_ref, hp_ref, d_ref, b_ref, o_ref):
        deg = 1.0 + d_ref[..., 0] + d_ref[..., 1]
        dinv = lax.rsqrt(deg)[:, None]
        acc = (s0_ref[0] + s1_ref[0] + hp_ref[...]) * dinv + b_ref[...]
        o_ref[...] = jnp.tanh(acc)

    return pl.pallas_call(
        body,
        grid=(N // _BLK,),
        in_specs=[
            pl.BlockSpec((1, _BLK, D), lambda i: (0, i, 0)),
            pl.BlockSpec((1, _BLK, D), lambda i: (1, i, 0)),
            pl.BlockSpec((_BLK, D), lambda i: (i, 0)),
            pl.BlockSpec((_BLK, 2), lambda i: (i, 0)),
            pl.BlockSpec((1, D), lambda i: (0, 0)),
        ],
        out_specs=pl.BlockSpec((_BLK, D), lambda i: (i, 0)),
        out_shape=jax.ShapeDtypeStruct((N, D), jnp.float32),
    )(sp, sp, hp, degp2, b2)


def kernel(x, edge_index, W, b):
    src = edge_index[0]
    dst = edge_index[1]
    dst_r = dst.reshape(NW, NCHUNK, CH)
    ones_ch = jnp.ones((CH,), jnp.float32)
    zeros_n = jnp.zeros((N,), jnp.float32)
    zeros_rpt = jnp.zeros((RPT, D), jnp.float32)

    npad = EPT2 - EPT
    pad_src = (jnp.arange(NW * npad, dtype=jnp.int32) % N).reshape(NW, npad)
    pad_pe = pad_src * 16384 + (NP - 1)
    pe = jnp.concatenate(
        [(src * 16384 + dst).reshape(NW, EPT), pad_pe], axis=1)

    degp = _sc_degree(dst_r, ones_ch, zeros_n)
    degp2 = degp.reshape(NC, N).T
    hp = _tc_hprime(x, W, degp2)
    sp = _sc_scatter(hp, pe, zeros_rpt)
    return _tc_finalize(sp, hp, degp2, b.reshape(1, D))

# --- scband reference (transcript-rebuilt; emitter-appended) ---
"""Pipeline reference for scband-ontology-nn-75445395521547 (READ-ONLY COPY).

The authoritative reference and input builder live on the scoring server;
editing this copy changes nothing except your own understanding.
"""

import jax, jax.numpy as jnp
import numpy as np

N_NODES = 10000
N_EDGES = 320000
D_IN = 128
D_OUT = 128


def setup_inputs(seed: int = 0) -> dict:
    key = jax.random.key(seed)
    k1, k2, k3 = jax.random.split(key, 3)
    x = jax.random.normal(k1, (N_NODES, D_IN), dtype=jnp.float32)
    edge_index = jax.random.randint(k2, (2, N_EDGES), 0, N_NODES, dtype=jnp.int32)
    # GCNConv weight and bias (the propagation core of OntologyNN / GCNPropagation)
    W = jax.random.normal(k3, (D_IN, D_OUT), dtype=jnp.float32) * (1.0 / np.sqrt(D_IN))
    b = jnp.zeros((D_OUT,), dtype=jnp.float32)
    return {"x": x, "edge_index": edge_index, "W": W, "b": b}


def reference(x, edge_index, W, b):
    # GCNConv (torch_geometric semantics, add_self_loops=True, symmetric norm)
    # followed by tanh, as in GCNPropagation.forward / OntologyNN propagation.
    N = x.shape[0]
    src = edge_index[0]
    dst = edge_index[1]
    loop = jnp.arange(N, dtype=edge_index.dtype)
    src2 = jnp.concatenate([src, loop], axis=0)
    dst2 = jnp.concatenate([dst, loop], axis=0)
    # degree (in-degree incl. self loops) with edge weight 1
    deg = jnp.zeros((N,), dtype=x.dtype).at[dst2].add(jnp.ones_like(dst2, dtype=x.dtype))
    dinv = jnp.where(deg > 0, 1.0 / jnp.sqrt(deg), 0.0)
    norm = dinv[src2] * dinv[dst2]
    h = x @ W
    msg = h[src2] * norm[:, None]
    out = jnp.zeros((N, W.shape[1]), dtype=x.dtype).at[dst2].add(msg)
    out = out + b
    return jnp.tanh(out)

if __name__ == "__main__":
    import jax
    _d = setup_inputs()
    print(jax.jit(kernel)(*tuple(_d.values())))

</pallas_src>

<mosaic_0001>
#map = affine_map<(d0, d1) -> (0, 0)>
#map1 = affine_map<(d0, d1) -> (0, 0, 0)>
module attributes {stable_mosaic.version = 14 : i64} {
  func.func @k(%arg0: i32, %arg1: i32, %arg2: memref<10000x128xf32, #tpu.memory_space<hbm>>, %arg3: memref<32x10080xi32, #tpu.memory_space<hbm>>, %arg4: memref<640x128xf32, #tpu.memory_space<hbm>>, %arg5: memref<2x10240x128xf32, #tpu.memory_space<hbm>>, %arg6: memref<10080xi32, #tpu.memory_space<vmem>>, %arg7: memref<96xi32, #tpu.memory_space<vmem>>, %arg8: memref<96xi32, #tpu.memory_space<vmem>>, %arg9: memref<96xi32, #tpu.memory_space<vmem>>, %arg10: memref<96xi32, #tpu.memory_space<vmem>>, %arg11: memref<96xi32, #tpu.memory_space<vmem>>, %arg12: memref<96xi32, #tpu.memory_space<vmem>>, %arg13: memref<96x128xf32, #tpu.memory_space<vmem>>, %arg14: memref<96x128xf32, #tpu.memory_space<vmem>>, %arg15: memref<96x128xf32, #tpu.memory_space<vmem>>, %arg16: memref<10240x128xf32, #tpu.memory_space<vmem_shared>>, %arg17: memref<!tpu.dma_semaphore, #tpu.memory_space<semaphore_mem>>, %arg18: memref<!tpu.dma_semaphore, #tpu.memory_space<semaphore_mem>>) attributes {dimension_semantics = [#tpu.dimension_semantics<core_parallel>, #tpu.dimension_semantics<subcore_parallel>], iteration_bounds = array<i64: 2, 16>, scalar_prefetch = 0 : i64, scratch_operands = 13 : i64, tpu.core_type = #tpu.core_type<sc_vector_subcore>, window_params = [{transform_indices = #map}, {transform_indices = #map}, {transform_indices = #map}, {transform_indices = #map1}]} {
    %mul3A = arith.constant 2 : i32
    %mul3A_0 = arith.muli %arg1, %mul3A : i32
    %add3A = arith.addi %mul3A_0, %arg0 : i32
    %mul3A_1 = arith.constant 640 : i32
    %mul3A_2 = arith.muli %arg1, %mul3A_1 : i32
    "tpu.region"() ({
      %run_scoped3A = tpu.sem_alloc : memref<!tpu.dma_semaphore, #tpu.memory_space<semaphore_mem>>
      %dma_start3A_257 = arith.constant 0 : i32
      %dma_start3A_258 = tpu.memref_slice %arg3[%add3A, %dma_start3A_257] : memref<32x10080xi32, #tpu.memory_space<hbm>> -> memref<1x10080xi32, #tpu.memory_space<hbm>>
      %dma_start3A_259 = tpu.memref_squeeze %dma_start3A_258 : memref<1x10080xi32, #tpu.memory_space<hbm>> -> memref<10080xi32, #tpu.memory_space<hbm>>
      %dma_start3A_260 = arith.constant 0 : i32
      %dma_start3A_261 = tpu.memref_slice %arg3[%add3A, %dma_start3A_260] : memref<32x10080xi32, #tpu.memory_space<hbm>> -> memref<1x10080xi32, #tpu.memory_space<hbm>>
      %dma_start3A_262 = tpu.memref_squeeze %dma_start3A_261 : memref<1x10080xi32, #tpu.memory_space<hbm>> -> memref<10080xi32, #tpu.memory_space<hbm>>
      tpu.enqueue_dma source(%dma_start3A_262 : memref<10080xi32, #tpu.memory_space<hbm>>) target(%arg6 : memref<10080xi32, #tpu.memory_space<vmem>>) target_semaphore(%run_scoped3A : memref<!tpu.dma_semaphore, #tpu.memory_space<semaphore_mem>>)
      %dma_wait3A_263 = arith.constant 0 : i32
      %dma_wait3A_264 = tpu.memref_slice %arg3[%add3A, %dma_wait3A_263] : memref<32x10080xi32, #tpu.memory_space<hbm>> -> memref<1x10080xi32, #tpu.memory_space<hbm>>
      %dma_wait3A_265 = tpu.memref_squeeze %dma_wait3A_264 : memref<1x10080xi32, #tpu.memory_space<hbm>> -> memref<10080xi32, #tpu.memory_space<hbm>>
      %dma_wait3A_266 = arith.constant 0 : i32
      %dma_wait3A_267 = tpu.memref_slice %arg3[%add3A, %dma_wait3A_266] : memref<32x10080xi32, #tpu.memory_space<hbm>> -> memref<1x10080xi32, #tpu.memory_space<hbm>>
      %dma_wait3A_268 = tpu.memref_squeeze %dma_wait3A_267 : memref<1x10080xi32, #tpu.memory_space<hbm>> -> memref<10080xi32, #tpu.memory_space<hbm>>
      tpu.wait_dma2 semaphore(%run_scoped3A : memref<!tpu.dma_semaphore, #tpu.memory_space<semaphore_mem>>) src(%dma_wait3A_268 : memref<10080xi32, #tpu.memory_space<hbm>>) dst(%arg6 : memref<10080xi32, #tpu.memory_space<vmem>>)
      tpu.yield
    }) : () -> ()
    "tpu.region"() ({
      %run_scoped3A = tpu.sem_alloc : memref<!tpu.dma_semaphore, #tpu.memory_space<semaphore_mem>>
      %dma_start3A_257 = arith.constant 0 : i32
      %dma_start3A_258 = tpu.memref_slice %arg16[%mul3A_2, %dma_start3A_257] : memref<10240x128xf32, #tpu.memory_space<vmem_shared>> -> memref<640x128xf32, #tpu.memory_space<vmem_shared>>
      tpu.enqueue_dma source(%arg4 : memref<640x128xf32, #tpu.memory_space<hbm>>) target(%dma_start3A_258 : memref<640x128xf32, #tpu.memory_space<vmem_shared>>) target_semaphore(%run_scoped3A : memref<!tpu.dma_semaphore, #tpu.memory_space<semaphore_mem>>)
      %dma_wait3A_259 = arith.constant 0 : i32
      %dma_wait3A_260 = tpu.memref_slice %arg16[%mul3A_2, %dma_wait3A_259] : memref<10240x128xf32, #tpu.memory_space<vmem_shared>> -> memref<640x128xf32, #tpu.memory_space<vmem_shared>>
      tpu.wait_dma2 semaphore(%run_scoped3A : memref<!tpu.dma_semaphore, #tpu.memory_space<semaphore_mem>>) src(%arg4 : memref<640x128xf32, #tpu.memory_space<hbm>>) dst(%dma_wait3A_260 : memref<640x128xf32, #tpu.memory_space<vmem_shared>>)
      tpu.yield
    }) : () -> ()
    %broadcast_in_dim3A = arith.constant 14 : i32
    %broadcast_in_dim3A_3 = vector.broadcast %broadcast_in_dim3A : i32 to vector<16xi32>
    %broadcast_in_dim3A_4 = arith.constant 16383 : i32
    %broadcast_in_dim3A_5 = vector.broadcast %broadcast_in_dim3A_4 : i32 to vector<16xi32>
    %barrier3A = arith.constant 0 : index
    tpu.barrier barrier_id(%barrier3A)
    %get3A = arith.constant 0 : index
    %get3A_6 = tpu.vector_load %arg6[%get3A] {strides = array<i32>} : memref<10080xi32, #tpu.memory_space<vmem>>, vector<16xi32>,
    %get3A_7 = vector.shape_cast %get3A_6 : vector<16xi32> to vector<16xi32>
    %shift_right_logical3A = arith.shrui %get3A_7, %broadcast_in_dim3A_3 : vector<16xi32>
    %swap3A = arith.constant 0 : index
    %swap3A_8 = tpu.vector_load %arg7[%swap3A] {strides = array<i32>} : memref<96xi32, #tpu.memory_space<vmem>>, vector<16xi32>,
    %swap3A_9 = vector.shape_cast %swap3A_8 : vector<16xi32> to vector<16xi32>
    %swap3A_10 = vector.shape_cast %shift_right_logical3A : vector<16xi32> to vector<16xi32>
    tpu.vector_store %arg7[%swap3A], %swap3A_10 {strides = array<i32>} : memref<96xi32, #tpu.memory_space<vmem>>, vector<16xi32>,
    %and3A = arith.andi %get3A_7, %broadcast_in_dim3A_5 : vector<16xi32>
    %swap3A_11 = arith.constant 0 : index
    %swap3A_12 = tpu.vector_load %arg10[%swap3A_11] {strides = array<i32>} : memref<96xi32, #tpu.memory_space<vmem>>, vector<16xi32>,
    %swap3A_13 = vector.shape_cast %swap3A_12 : vector<16xi32> to vector<16xi32>
    %swap3A_14 = vector.shape_cast %and3A : vector<16xi32> to vector<16xi32>
    tpu.vector_store %arg10[%swap3A_11], %swap3A_14 {strides = array<i32>} : memref<96xi32, #tpu.memory_space<vmem>>, vector<16xi32>,
    %get3A_15 = arith.constant 16 : index
    %get3A_16 = tpu.vector_load %arg6[%get3A_15] {strides = array<i32>} : memref<10080xi32, #tpu.memory_space<vmem>>, vector<16xi32>,
    %get3A_17 = vector.shape_cast %get3A_16 : vector<16xi32> to vector<16xi32>
    %shift_right_logical3A_18 = arith.shrui %get3A_17, %broadcast_in_dim3A_3 : vector<16xi32>
    %swap3A_19 = arith.constant 16 : index
    %swap3A_20 = tpu.vector_load %arg7[%swap3A_19] {strides = array<i32>} : memref<96xi32, #tpu.memory_space<vmem>>, vector<16xi32>,
    %swap3A_21 = vector.shape_cast %swap3A_20 : vector<16xi32> to vector<16xi32>
    %swap3A_22 = vector.shape_cast %shift_right_logical3A_18 : vector<16xi32> to vector<16xi32>
    tpu.vector_store %arg7[%swap3A_19], %swap3A_22 {strides = array<i32>} : memref<96xi32, #tpu.memory_space<vmem>>, vector<16xi32>,
    %and3A_23 = arith.andi %get3A_17, %broadcast_in_dim3A_5 : vector<16xi32>
    %swap3A_24 = arith.constant 16 : index
    %swap3A_25 = tpu.vector_load %arg10[%swap3A_24] {strides = array<i32>} : memref<96xi32, #tpu.memory_space<vmem>>, vector<16xi32>,
    %swap3A_26 = vector.shape_cast %swap3A_25 : vector<16xi32> to vector<16xi32>
    %swap3A_27 = vector.shape_cast %and3A_23 : vector<16xi32> to vector<16xi32>
    tpu.vector_store %arg10[%swap3A_24], %swap3A_27 {strides = array<i32>} : memref<96xi32, #tpu.memory_space<vmem>>, vector<16xi32>,
    %get3A_28 = arith.constant 32 : index
    %get3A_29 = tpu.vector_load %arg6[%get3A_28] {strides = array<i32>} : memref<10080xi32, #tpu.memory_space<vmem>>, vector<16xi32>,
    %get3A_30 = vector.shape_cast %get3A_29 : vector<16xi32> to vector<16xi32>
    %shift_right_logical3A_31 = arith.shrui %get3A_30, %broadcast_in_dim3A_3 : vector<16xi32>
    %swap3A_32 = arith.constant 32 : index
    %swap3A_33 = tpu.vector_load %arg7[%swap3A_32] {strides = array<i32>} : memref<96xi32, #tpu.memory_space<vmem>>, vector<16xi32>,
    %swap3A_34 = vector.shape_cast %swap3A_33 : vector<16xi32> to vector<16xi32>
    %swap3A_35 = vector.shape_cast %shift_right_logical3A_31 : vector<16xi32> to vector<16xi32>
    tpu.vector_store %arg7[%swap3A_32], %swap3A_35 {strides = array<i32>} : memref<96xi32, #tpu.memory_space<vmem>>, vector<16xi32>,
    %and3A_36 = arith.andi %get3A_30, %broadcast_in_dim3A_5 : vector<16xi32>
    %swap3A_37 = arith.constant 32 : index
    %swap3A_38 = tpu.vector_load %arg10[%swap3A_37] {strides = array<i32>} : memref<96xi32, #tpu.memory_space<vmem>>, vector<16xi32>,
    %swap3A_39 = vector.shape_cast %swap3A_38 : vector<16xi32> to vector<16xi32>
    %swap3A_40 = vector.shape_cast %and3A_36 : vector<16xi32> to vector<16xi32>
    tpu.vector_store %arg10[%swap3A_37], %swap3A_40 {strides = array<i32>} : memref<96xi32, #tpu.memory_space<vmem>>, vector<16xi32>,
    %get3A_41 = arith.constant 48 : index
    %get3A_42 = tpu.vector_load %arg6[%get3A_41] {strides = array<i32>} : memref<10080xi32, #tpu.memory_space<vmem>>, vector<16xi32>,
    %get3A_43 = vector.shape_cast %get3A_42 : vector<16xi32> to vector<16xi32>
    %shift_right_logical3A_44 = arith.shrui %get3A_43, %broadcast_in_dim3A_3 : vector<16xi32>
    %swap3A_45 = arith.constant 48 : index
    %swap3A_46 = tpu.vector_load %arg7[%swap3A_45] {strides = array<i32>} : memref<96xi32, #tpu.memory_space<vmem>>, vector<16xi32>,
    %swap3A_47 = vector.shape_cast %swap3A_46 : vector<16xi32> to vector<16xi32>
    %swap3A_48 = vector.shape_cast %shift_right_logical3A_44 : vector<16xi32> to vector<16xi32>
    tpu.vector_store %arg7[%swap3A_45], %swap3A_48 {strides = array<i32>} : memref<96xi32, #tpu.memory_space<vmem>>, vector<16xi32>,
    %and3A_49 = arith.andi %get3A_43, %broadcast_in_dim3A_5 : vector<16xi32>
    %swap3A_50 = arith.constant 48 : index
    %swap3A_51 = tpu.vector_load %arg10[%swap3A_50] {strides = array<i32>} : memref<96xi32, #tpu.memory_space<vmem>>, vector<16xi32>,
    %swap3A_52 = vector.shape_cast %swap3A_51 : vector<16xi32> to vector<16xi32>
    %swap3A_53 = vector.shape_cast %and3A_49 : vector<16xi32> to vector<16xi32>
    tpu.vector_store %arg10[%swap3A_50], %swap3A_53 {strides = array<i32>} : memref<96xi32, #tpu.memory_space<vmem>>, vector<16xi32>,
    %get3A_54 = arith.constant 64 : index
    %get3A_55 = tpu.vector_load %arg6[%get3A_54] {strides = array<i32>} : memref<10080xi32, #tpu.memory_space<vmem>>, vector<16xi32>,
    %get3A_56 = vector.shape_cast %get3A_55 : vector<16xi32> to vector<16xi32>
    %shift_right_logical3A_57 = arith.shrui %get3A_56, %broadcast_in_dim3A_3 : vector<16xi32>
    %swap3A_58 = arith.constant 64 : index
    %swap3A_59 = tpu.vector_load %arg7[%swap3A_58] {strides = array<i32>} : memref<96xi32, #tpu.memory_space<vmem>>, vector<16xi32>,
    %swap3A_60 = vector.shape_cast %swap3A_59 : vector<16xi32> to vector<16xi32>
    %swap3A_61 = vector.shape_cast %shift_right_logical3A_57 : vector<16xi32> to vector<16xi32>
    tpu.vector_store %arg7[%swap3A_58], %swap3A_61 {strides = array<i32>} : memref<96xi32, #tpu.memory_space<vmem>>, vector<16xi32>,
    %and3A_62 = arith.andi %get3A_56, %broadcast_in_dim3A_5 : vector<16xi32>
    %swap3A_63 = arith.constant 64 : index
    %swap3A_64 = tpu.vector_load %arg10[%swap3A_63] {strides = array<i32>} : memref<96xi32, #tpu.memory_space<vmem>>, vector<16xi32>,
    %swap3A_65 = vector.shape_cast %swap3A_64 : vector<16xi32> to vector<16xi32>
    %swap3A_66 = vector.shape_cast %and3A_62 : vector<16xi32> to vector<16xi32>
    tpu.vector_store %arg10[%swap3A_63], %swap3A_66 {strides = array<i32>} : memref<96xi32, #tpu.memory_space<vmem>>, vector<16xi32>,
    %get3A_67 = arith.constant 80 : index
    %get3A_68 = tpu.vector_load %arg6[%get3A_67] {strides = array<i32>} : memref<10080xi32, #tpu.memory_space<vmem>>, vector<16xi32>,
    %get3A_69 = vector.shape_cast %get3A_68 : vector<16xi32> to vector<16xi32>
    %shift_right_logical3A_70 = arith.shrui %get3A_69, %broadcast_in_dim3A_3 : vector<16xi32>
    %swap3A_71 = arith.constant 80 : index
    %swap3A_72 = tpu.vector_load %arg7[%swap3A_71] {strides = array<i32>} : memref<96xi32, #tpu.memory_space<vmem>>, vector<16xi32>,
    %swap3A_73 = vector.shape_cast %swap3A_72 : vector<16xi32> to vector<16xi32>
    %swap3A_74 = vector.shape_cast %shift_right_logical3A_70 : vector<16xi32> to vector<16xi32>
    tpu.vector_store %arg7[%swap3A_71], %swap3A_74 {strides = array<i32>} : memref<96xi32, #tpu.memory_space<vmem>>, vector<16xi32>,
    %and3A_75 = arith.andi %get3A_69, %broadcast_in_dim3A_5 : vector<16xi32>
    %swap3A_76 = arith.constant 80 : index
    %swap3A_77 = tpu.vector_load %arg10[%swap3A_76] {strides = array<i32>} : memref<96xi32, #tpu.memory_space<vmem>>, vector<16xi32>,
    %swap3A_78 = vector.shape_cast %swap3A_77 : vector<16xi32> to vector<16xi32>
    %swap3A_79 = vector.shape_cast %and3A_75 : vector<16xi32> to vector<16xi32>
    tpu.vector_store %arg10[%swap3A_76], %swap3A_79 {strides = array<i32>} : memref<96xi32, #tpu.memory_space<vmem>>, vector<16xi32>,
    %dma_start3A = arith.constant 0 : i32
    %dma_start3A_80 = arith.constant 0 : i32
    %dma_start3A_81 = tpu.memref_slice %arg2[%dma_start3A, %dma_start3A_80] : memref<10000x128xf32, #tpu.memory_space<hbm>> -> memref<10000x128xf32, #tpu.memory_space<hbm>>
    tpu.enqueue_indirect_dma source(%dma_start3A_81 : memref<10000x128xf32, #tpu.memory_space<hbm>>) target(%arg13 : memref<96x128xf32, #tpu.memory_space<vmem>>) offsets(%arg7 : memref<96xi32, #tpu.memory_space<vmem>>) semaphore(%arg17 : memref<!tpu.dma_semaphore, #tpu.memory_space<semaphore_mem>>)
    %get3A_82 = arith.constant 96 : index
    %get3A_83 = tpu.vector_load %arg6[%get3A_82] {strides = array<i32>} : memref<10080xi32, #tpu.memory_space<vmem>>, vector<16xi32>,
    %get3A_84 = vector.shape_cast %get3A_83 : vector<16xi32> to vector<16xi32>
    %shift_right_logical3A_85 = arith.shrui %get3A_84, %broadcast_in_dim3A_3 : vector<16xi32>
    %swap3A_86 = arith.constant 0 : index
    %swap3A_87 = tpu.vector_load %arg8[%swap3A_86] {strides = array<i32>} : memref<96xi32, #tpu.memory_space<vmem>>, vector<16xi32>,
    %swap3A_88 = vector.shape_cast %swap3A_87 : vector<16xi32> to vector<16xi32>
    %swap3A_89 = vector.shape_cast %shift_right_logical3A_85 : vector<16xi32> to vector<16xi32>
    tpu.vector_store %arg8[%swap3A_86], %swap3A_89 {strides = array<i32>} : memref<96xi32, #tpu.memory_space<vmem>>, vector<16xi32>,
    %and3A_90 = arith.andi %get3A_84, %broadcast_in_dim3A_5 : vector<16xi32>
    %swap3A_91 = arith.constant 0 : index
    %swap3A_92 = tpu.vector_load %arg11[%swap3A_91] {strides = array<i32>} : memref<96xi32, #tpu.memory_space<vmem>>, vector<16xi32>,
    %swap3A_93 = vector.shape_cast %swap3A_92 : vector<16xi32> to vector<16xi32>
    %swap3A_94 = vector.shape_cast %and3A_90 : vector<16xi32> to vector<16xi32>
    tpu.vector_store %arg11[%swap3A_91], %swap3A_94 {strides = array<i32>} : memref<96xi32, #tpu.memory_space<vmem>>, vector<16xi32>,
    %get3A_95 = arith.constant 112 : index
    %get3A_96 = tpu.vector_load %arg6[%get3A_95] {strides = array<i32>} : memref<10080xi32, #tpu.memory_space<vmem>>, vector<16xi32>,
    %get3A_97 = vector.shape_cast %get3A_96 : vector<16xi32> to vector<16xi32>
    %shift_right_logical3A_98 = arith.shrui %get3A_97, %broadcast_in_dim3A_3 : vector<16xi32>
    %swap3A_99 = arith.constant 16 : index
    %swap3A_100 = tpu.vector_load %arg8[%swap3A_99] {strides = array<i32>} : memref<96xi32, #tpu.memory_space<vmem>>, vector<16xi32>,
    %swap3A_101 = vector.shape_cast %swap3A_100 : vector<16xi32> to vector<16xi32>
    %swap3A_102 = vector.shape_cast %shift_right_logical3A_98 : vector<16xi32> to vector<16xi32>
    tpu.vector_store %arg8[%swap3A_99], %swap3A_102 {strides = array<i32>} : memref<96xi32, #tpu.memory_space<vmem>>, vector<16xi32>,
    %and3A_103 = arith.andi %get3A_97, %broadcast_in_dim3A_5 : vector<16xi32>
    %swap3A_104 = arith.constant 16 : index
    %swap3A_105 = tpu.vector_load %arg11[%swap3A_104] {strides = array<i32>} : memref<96xi32, #tpu.memory_space<vmem>>, vector<16xi32>,
    %swap3A_106 = vector.shape_cast %swap3A_105 : vector<16xi32> to vector<16xi32>
    %swap3A_107 = vector.shape_cast %and3A_103 : vector<16xi32> to vector<16xi32>
    tpu.vector_store %arg11[%swap3A_104], %swap3A_107 {strides = array<i32>} : memref<96xi32, #tpu.memory_space<vmem>>, vector<16xi32>,
    %get3A_108 = arith.constant 128 : index
    %get3A_109 = tpu.vector_load %arg6[%get3A_108] {strides = array<i32>} : memref<10080xi32, #tpu.memory_space<vmem>>, vector<16xi32>,
    %get3A_110 = vector.shape_cast %get3A_109 : vector<16xi32> to vector<16xi32>
    %shift_right_logical3A_111 = arith.shrui %get3A_110, %broadcast_in_dim3A_3 : vector<16xi32>
    %swap3A_112 = arith.constant 32 : index
    %swap3A_113 = tpu.vector_load %arg8[%swap3A_112] {strides = array<i32>} : memref<96xi32, #tpu.memory_space<vmem>>, vector<16xi32>,
    %swap3A_114 = vector.shape_cast %swap3A_113 : vector<16xi32> to vector<16xi32>
    %swap3A_115 = vector.shape_cast %shift_right_logical3A_111 : vector<16xi32> to vector<16xi32>
    tpu.vector_store %arg8[%swap3A_112], %swap3A_115 {strides = array<i32>} : memref<96xi32, #tpu.memory_space<vmem>>, vector<16xi32>,
    %and3A_116 = arith.andi %get3A_110, %broadcast_in_dim3A_5 : vector<16xi32>
    %swap3A_117 = arith.constant 32 : index
    %swap3A_118 = tpu.vector_load %arg11[%swap3A_117] {strides = array<i32>} : memref<96xi32, #tpu.memory_space<vmem>>, vector<16xi32>,
    %swap3A_119 = vector.shape_cast %swap3A_118 : vector<16xi32> to vector<16xi32>
    %swap3A_120 = vector.shape_cast %and3A_116 : vector<16xi32> to vector<16xi32>
    tpu.vector_store %arg11[%swap3A_117], %swap3A_120 {strides = array<i32>} : memref<96xi32, #tpu.memory_space<vmem>>, vector<16xi32>,
    %get3A_121 = arith.constant 144 : index
    %get3A_122 = tpu.vector_load %arg6[%get3A_121] {strides = array<i32>} : memref<10080xi32, #tpu.memory_space<vmem>>, vector<16xi32>,
    %get3A_123 = vector.shape_cast %get3A_122 : vector<16xi32> to vector<16xi32>
    %shift_right_logical3A_124 = arith.shrui %get3A_123, %broadcast_in_dim3A_3 : vector<16xi32>
    %swap3A_125 = arith.constant 48 : index
    %swap3A_126 = tpu.vector_load %arg8[%swap3A_125] {strides = array<i32>} : memref<96xi32, #tpu.memory_space<vmem>>, vector<16xi32>,
    %swap3A_127 = vector.shape_cast %swap3A_126 : vector<16xi32> to vector<16xi32>
    %swap3A_128 = vector.shape_cast %shift_right_logical3A_124 : vector<16xi32> to vector<16xi32>
    tpu.vector_store %arg8[%swap3A_125], %swap3A_128 {strides = array<i32>} : memref<96xi32, #tpu.memory_space<vmem>>, vector<16xi32>,
    %and3A_129 = arith.andi %get3A_123, %broadcast_in_dim3A_5 : vector<16xi32>
    %swap3A_130 = arith.constant 48 : index
    %swap3A_131 = tpu.vector_load %arg11[%swap3A_130] {strides = array<i32>} : memref<96xi32, #tpu.memory_space<vmem>>, vector<16xi32>,
    %swap3A_132 = vector.shape_cast %swap3A_131 : vector<16xi32> to vector<16xi32>
    %swap3A_133 = vector.shape_cast %and3A_129 : vector<16xi32> to vector<16xi32>
    tpu.vector_store %arg11[%swap3A_130], %swap3A_133 {strides = array<i32>} : memref<96xi32, #tpu.memory_space<vmem>>, vector<16xi32>,
    %get3A_134 = arith.constant 160 : index
    %get3A_135 = tpu.vector_load %arg6[%get3A_134] {strides = array<i32>} : memref<10080xi32, #tpu.memory_space<vmem>>, vector<16xi32>,
    %get3A_136 = vector.shape_cast %get3A_135 : vector<16xi32> to vector<16xi32>
    %shift_right_logical3A_137 = arith.shrui %get3A_136, %broadcast_in_dim3A_3 : vector<16xi32>
    %swap3A_138 = arith.constant 64 : index
    %swap3A_139 = tpu.vector_load %arg8[%swap3A_138] {strides = array<i32>} : memref<96xi32, #tpu.memory_space<vmem>>, vector<16xi32>,
    %swap3A_140 = vector.shape_cast %swap3A_139 : vector<16xi32> to vector<16xi32>
    %swap3A_141 = vector.shape_cast %shift_right_logical3A_137 : vector<16xi32> to vector<16xi32>
    tpu.vector_store %arg8[%swap3A_138], %swap3A_141 {strides = array<i32>} : memref<96xi32, #tpu.memory_space<vmem>>, vector<16xi32>,
    %and3A_142 = arith.andi %get3A_136, %broadcast_in_dim3A_5 : vector<16xi32>
    %swap3A_143 = arith.constant 64 : index
    %swap3A_144 = tpu.vector_load %arg11[%swap3A_143] {strides = array<i32>} : memref<96xi32, #tpu.memory_space<vmem>>, vector<16xi32>,
    %swap3A_145 = vector.shape_cast %swap3A_144 : vector<16xi32> to vector<16xi32>
    %swap3A_146 = vector.shape_cast %and3A_142 : vector<16xi32> to vector<16xi32>
    tpu.vector_store %arg11[%swap3A_143], %swap3A_146 {strides = array<i32>} : memref<96xi32, #tpu.memory_space<vmem>>, vector<16xi32>,
    %get3A_147 = arith.constant 176 : index
    %get3A_148 = tpu.vector_load %arg6[%get3A_147] {strides = array<i32>} : memref<10080xi32, #tpu.memory_space<vmem>>, vector<16xi32>,
    %get3A_149 = vector.shape_cast %get3A_148 : vector<16xi32> to vector<16xi32>
    %shift_right_logical3A_150 = arith.shrui %get3A_149, %broadcast_in_dim3A_3 : vector<16xi32>
    %swap3A_151 = arith.constant 80 : index
    %swap3A_152 = tpu.vector_load %arg8[%swap3A_151] {strides = array<i32>} : memref<96xi32, #tpu.memory_space<vmem>>, vector<16xi32>,
    %swap3A_153 = vector.shape_cast %swap3A_152 : vector<16xi32> to vector<16xi32>
    %swap3A_154 = vector.shape_cast %shift_right_logical3A_150 : vector<16xi32> to vector<16xi32>
    tpu.vector_store %arg8[%swap3A_151], %swap3A_154 {strides = array<i32>} : memref<96xi32, #tpu.memory_space<vmem>>, vector<16xi32>,
    %and3A_155 = arith.andi %get3A_149, %broadcast_in_dim3A_5 : vector<16xi32>
    %swap3A_156 = arith.constant 80 : index
    %swap3A_157 = tpu.vector_load %arg11[%swap3A_156] {strides = array<i32>} : memref<96xi32, #tpu.memory_space<vmem>>, vector<16xi32>,
    %swap3A_158 = vector.shape_cast %swap3A_157 : vector<16xi32> to vector<16xi32>
    %swap3A_159 = vector.shape_cast %and3A_155 : vector<16xi32> to vector<16xi32>
    tpu.vector_store %arg11[%swap3A_156], %swap3A_159 {strides = array<i32>} : memref<96xi32, #tpu.memory_space<vmem>>, vector<16xi32>,
    %dma_start3A_160 = arith.constant 0 : i32
    %dma_start3A_161 = arith.constant 0 : i32
    %dma_start3A_162 = tpu.memref_slice %arg2[%dma_start3A_160, %dma_start3A_161] : memref<10000x128xf32, #tpu.memory_space<hbm>> -> memref<10000x128xf32, #tpu.memory_space<hbm>>
    tpu.enqueue_indirect_dma source(%dma_start3A_162 : memref<10000x128xf32, #tpu.memory_space<hbm>>) target(%arg14 : memref<96x128xf32, #tpu.memory_space<vmem>>) offsets(%arg8 : memref<96xi32, #tpu.memory_space<vmem>>) semaphore(%arg17 : memref<!tpu.dma_semaphore, #tpu.memory_space<semaphore_mem>>)
    %get3A_163 = arith.constant 192 : index
    %get3A_164 = tpu.vector_load %arg6[%get3A_163] {strides = array<i32>} : memref<10080xi32, #tpu.memory_space<vmem>>, vector<16xi32>,
    %get3A_165 = vector.shape_cast %get3A_164 : vector<16xi32> to vector<16xi32>
    %shift_right_logical3A_166 = arith.shrui %get3A_165, %broadcast_in_dim3A_3 : vector<16xi32>
    %swap3A_167 = arith.constant 0 : index
    %swap3A_168 = tpu.vector_load %arg9[%swap3A_167] {strides = array<i32>} : memref<96xi32, #tpu.memory_space<vmem>>, vector<16xi32>,
    %swap3A_169 = vector.shape_cast %swap3A_168 : vector<16xi32> to vector<16xi32>
    %swap3A_170 = vector.shape_cast %shift_right_logical3A_166 : vector<16xi32> to vector<16xi32>
    tpu.vector_store %arg9[%swap3A_167], %swap3A_170 {strides = array<i32>} : memref<96xi32, #tpu.memory_space<vmem>>, vector<16xi32>,
    %and3A_171 = arith.andi %get3A_165, %broadcast_in_dim3A_5 : vector<16xi32>
    %swap3A_172 = arith.constant 0 : index
    %swap3A_173 = tpu.vector_load %arg12[%swap3A_172] {strides = array<i32>} : memref<96xi32, #tpu.memory_space<vmem>>, vector<16xi32>,
    %swap3A_174 = vector.shape_cast %swap3A_173 : vector<16xi32> to vector<16xi32>
    %swap3A_175 = vector.shape_cast %and3A_171 : vector<16xi32> to vector<16xi32>
    tpu.vector_store %arg12[%swap3A_172], %swap3A_175 {strides = array<i32>} : memref<96xi32, #tpu.memory_space<vmem>>, vector<16xi32>,
    %get3A_176 = arith.constant 208 : index
    %get3A_177 = tpu.vector_load %arg6[%get3A_176] {strides = array<i32>} : memref<10080xi32, #tpu.memory_space<vmem>>, vector<16xi32>,
    %get3A_178 = vector.shape_cast %get3A_177 : vector<16xi32> to vector<16xi32>
    %shift_right_logical3A_179 = arith.shrui %get3A_178, %broadcast_in_dim3A_3 : vector<16xi32>
    %swap3A_180 = arith.constant 16 : index
    %swap3A_181 = tpu.vector_load %arg9[%swap3A_180] {strides = array<i32>} : memref<96xi32, #tpu.memory_space<vmem>>, vector<16xi32>,
    %swap3A_182 = vector.shape_cast %swap3A_181 : vector<16xi32> to vector<16xi32>
    %swap3A_183 = vector.shape_cast %shift_right_logical3A_179 : vector<16xi32> to vector<16xi32>
    tpu.vector_store %arg9[%swap3A_180], %swap3A_183 {strides = array<i32>} : memref<96xi32, #tpu.memory_space<vmem>>, vector<16xi32>,
    %and3A_184 = arith.andi %get3A_178, %broadcast_in_dim3A_5 : vector<16xi32>
    %swap3A_185 = arith.constant 16 : index
    %swap3A_186 = tpu.vector_load %arg12[%swap3A_185] {strides = array<i32>} : memref<96xi32, #tpu.memory_space<vmem>>, vector<16xi32>,
    %swap3A_187 = vector.shape_cast %swap3A_186 : vector<16xi32> to vector<16xi32>
    %swap3A_188 = vector.shape_cast %and3A_184 : vector<16xi32> to vector<16xi32>
    tpu.vector_store %arg12[%swap3A_185], %swap3A_188 {strides = array<i32>} : memref<96xi32, #tpu.memory_space<vmem>>, vector<16xi32>,
    %get3A_189 = arith.constant 224 : index
    %get3A_190 = tpu.vector_load %arg6[%get3A_189] {strides = array<i32>} : memref<10080xi32, #tpu.memory_space<vmem>>, vector<16xi32>,
    %get3A_191 = vector.shape_cast %get3A_190 : vector<16xi32> to vector<16xi32>
    %shift_right_logical3A_192 = arith.shrui %get3A_191, %broadcast_in_dim3A_3 : vector<16xi32>
    %swap3A_193 = arith.constant 32 : index
    %swap3A_194 = tpu.vector_load %arg9[%swap3A_193] {strides = array<i32>} : memref<96xi32, #tpu.memory_space<vmem>>, vector<16xi32>,
    %swap3A_195 = vector.shape_cast %swap3A_194 : vector<16xi32> to vector<16xi32>
    %swap3A_196 = vector.shape_cast %shift_right_logical3A_192 : vector<16xi32> to vector<16xi32>
    tpu.vector_store %arg9[%swap3A_193], %swap3A_196 {strides = array<i32>} : memref<96xi32, #tpu.memory_space<vmem>>, vector<16xi32>,
    %and3A_197 = arith.andi %get3A_191, %broadcast_in_dim3A_5 : vector<16xi32>
    %swap3A_198 = arith.constant 32 : index
    %swap3A_199 = tpu.vector_load %arg12[%swap3A_198] {strides = array<i32>} : memref<96xi32, #tpu.memory_space<vmem>>, vector<16xi32>,
    %swap3A_200 = vector.shape_cast %swap3A_199 : vector<16xi32> to vector<16xi32>
    %swap3A_201 = vector.shape_cast %and3A_197 : vector<16xi32> to vector<16xi32>
    tpu.vector_store %arg12[%swap3A_198], %swap3A_201 {strides = array<i32>} : memref<96xi32, #tpu.memory_space<vmem>>, vector<16xi32>,
    %get3A_202 = arith.constant 240 : index
    %get3A_203 = tpu.vector_load %arg6[%get3A_202] {strides = array<i32>} : memref<10080xi32, #tpu.memory_space<vmem>>, vector<16xi32>,
    %get3A_204 = vector.shape_cast %get3A_203 : vector<16xi32> to vector<16xi32>
    %shift_right_logical3A_205 = arith.shrui %get3A_204, %broadcast_in_dim3A_3 : vector<16xi32>
    %swap3A_206 = arith.constant 48 : index
    %swap3A_207 = tpu.vector_load %arg9[%swap3A_206] {strides = array<i32>} : memref<96xi32, #tpu.memory_space<vmem>>, vector<16xi32>,
    %swap3A_208 = vector.shape_cast %swap3A_207 : vector<16xi32> to vector<16xi32>
    %swap3A_209 = vector.shape_cast %shift_right_logical3A_205 : vector<16xi32> to vector<16xi32>
    tpu.vector_store %arg9[%swap3A_206], %swap3A_209 {strides = array<i32>} : memref<96xi32, #tpu.memory_space<vmem>>, vector<16xi32>,
    %and3A_210 = arith.andi %get3A_204, %broadcast_in_dim3A_5 : vector<16xi32>
    %swap3A_211 = arith.constant 48 : index
    %swap3A_212 = tpu.vector_load %arg12[%swap3A_211] {strides = array<i32>} : memref<96xi32, #tpu.memory_space<vmem>>, vector<16xi32>,
    %swap3A_213 = vector.shape_cast %swap3A_212 : vector<16xi32> to vector<16xi32>
    %swap3A_214 = vector.shape_cast %and3A_210 : vector<16xi32> to vector<16xi32>
    tpu.vector_store %arg12[%swap3A_211], %swap3A_214 {strides = array<i32>} : memref<96xi32, #tpu.memory_space<vmem>>, vector<16xi32>,
    %get3A_215 = arith.constant 256 : index
    %get3A_216 = tpu.vector_load %arg6[%get3A_215] {strides = array<i32>} : memref<10080xi32, #tpu.memory_space<vmem>>, vector<16xi32>,
    %get3A_217 = vector.shape_cast %get3A_216 : vector<16xi32> to vector<16xi32>
    %shift_right_logical3A_218 = arith.shrui %get3A_217, %broadcast_in_dim3A_3 : vector<16xi32>
    %swap3A_219 = arith.constant 64 : index
    %swap3A_220 = tpu.vector_load %arg9[%swap3A_219] {strides = array<i32>} : memref<96xi32, #tpu.memory_space<vmem>>, vector<16xi32>,
    %swap3A_221 = vector.shape_cast %swap3A_220 : vector<16xi32> to vector<16xi32>
    %swap3A_222 = vector.shape_cast %shift_right_logical3A_218 : vector<16xi32> to vector<16xi32>
    tpu.vector_store %arg9[%swap3A_219], %swap3A_222 {strides = array<i32>} : memref<96xi32, #tpu.memory_space<vmem>>, vector<16xi32>,
    %and3A_223 = arith.andi %get3A_217, %broadcast_in_dim3A_5 : vector<16xi32>
    %swap3A_224 = arith.constant 64 : index
    %swap3A_225 = tpu.vector_load %arg12[%swap3A_224] {strides = array<i32>} : memref<96xi32, #tpu.memory_space<vmem>>, vector<16xi32>,
    %swap3A_226 = vector.shape_cast %swap3A_225 : vector<16xi32> to vector<16xi32>
    %swap3A_227 = vector.shape_cast %and3A_223 : vector<16xi32> to vector<16xi32>
    tpu.vector_store %arg12[%swap3A_224], %swap3A_227 {strides = array<i32>} : memref<96xi32, #tpu.memory_space<vmem>>, vector<16xi32>,
    %get3A_228 = arith.constant 272 : index
    %get3A_229 = tpu.vector_load %arg6[%get3A_228] {strides = array<i32>} : memref<10080xi32, #tpu.memory_space<vmem>>, vector<16xi32>,
    %get3A_230 = vector.shape_cast %get3A_229 : vector<16xi32> to vector<16xi32>
    %shift_right_logical3A_231 = arith.shrui %get3A_230, %broadcast_in_dim3A_3 : vector<16xi32>
    %swap3A_232 = arith.constant 80 : index
    %swap3A_233 = tpu.vector_load %arg9[%swap3A_232] {strides = array<i32>} : memref<96xi32, #tpu.memory_space<vmem>>, vector<16xi32>,
    %swap3A_234 = vector.shape_cast %swap3A_233 : vector<16xi32> to vector<16xi32>
    %swap3A_235 = vector.shape_cast %shift_right_logical3A_231 : vector<16xi32> to vector<16xi32>
    tpu.vector_store %arg9[%swap3A_232], %swap3A_235 {strides = array<i32>} : memref<96xi32, #tpu.memory_space<vmem>>, vector<16xi32>,
    %and3A_236 = arith.andi %get3A_230, %broadcast_in_dim3A_5 : vector<16xi32>
    %swap3A_237 = arith.constant 80 : index
    %swap3A_238 = tpu.vector_load %arg12[%swap3A_237] {strides = array<i32>} : memref<96xi32, #tpu.memory_space<vmem>>, vector<16xi32>,
    %swap3A_239 = vector.shape_cast %swap3A_238 : vector<16xi32> to vector<16xi32>
    %swap3A_240 = vector.shape_cast %and3A_236 : vector<16xi32> to vector<16xi32>
    tpu.vector_store %arg12[%swap3A_237], %swap3A_240 {strides = array<i32>} : memref<96xi32, #tpu.memory_space<vmem>>, vector<16xi32>,
    %dma_start3A_241 = arith.constant 0 : i32
    %dma_start3A_242 = arith.constant 0 : i32
    %dma_start3A_243 = tpu.memref_slice %arg2[%dma_start3A_241, %dma_start3A_242] : memref<10000x128xf32, #tpu.memory_space<hbm>> -> memref<10000x128xf32, #tpu.memory_space<hbm>>
    tpu.enqueue_indirect_dma source(%dma_start3A_243 : memref<10000x128xf32, #tpu.memory_space<hbm>>) target(%arg15 : memref<96x128xf32, #tpu.memory_space<vmem>>) offsets(%arg9 : memref<96xi32, #tpu.memory_space<vmem>>) semaphore(%arg17 : memref<!tpu.dma_semaphore, #tpu.memory_space<semaphore_mem>>)
    %scan3A = arith.constant 0 : i32
    %scan3A_244 = arith.constant 35 : i32
    %scan3A_245 = arith.addi %scan3A, %scan3A_244 : i32
    %scan3A_246 = arith.constant 1 : i32
    scf.for %scan3A_257 = %scan3A to %scan3A_245 step %scan3A_246  : i32 {
      %mul3A_258 = arith.constant 3 : i32
      %mul3A_259 = arith.muli %scan3A_257, %mul3A_258 : i32
      %add3A_260 = arith.constant 0 : i32
      %add3A_261 = arith.addi %add3A_260, %mul3A_259 : i32
      %dma_wait3A_262 = arith.constant 0 : i32
      %dma_wait3A_263 = arith.constant 0 : i32
      %dma_wait3A_264 = tpu.memref_slice %arg2[%dma_wait3A_262, %dma_wait3A_263] : memref<10000x128xf32, #tpu.memory_space<hbm>> -> memref<10000x128xf32, #tpu.memory_space<hbm>>
      tpu.wait_indirect_dma semaphore(%arg17 : memref<!tpu.dma_semaphore, #tpu.memory_space<semaphore_mem>>) src(%dma_wait3A_264 : memref<10000x128xf32, #tpu.memory_space<hbm>>) dst(%arg13 : memref<96x128xf32, #tpu.memory_space<vmem>>)
      %dma_start3A_265 = arith.constant 0 : i32
      %dma_start3A_266 = arith.constant 0 : i32
      %dma_start3A_267 = tpu.memref_slice %arg16[%dma_start3A_265, %dma_start3A_266] : memref<10240x128xf32, #tpu.memory_space<vmem_shared>> -> memref<10240x128xf32, #tpu.memory_space<vmem_shared>>
      tpu.enqueue_indirect_dma source(%arg13 : memref<96x128xf32, #tpu.memory_space<vmem>>) target(%dma_start3A_267 : memref<10240x128xf32, #tpu.memory_space<vmem_shared>>) offsets(%arg10 : memref<96xi32, #tpu.memory_space<vmem>>) semaphore(%arg18 : memref<!tpu.dma_semaphore, #tpu.memory_space<semaphore_mem>>) {add = true}
      %dma_wait3A_268 = arith.constant 0 : i32
      %dma_wait3A_269 = arith.constant 0 : i32
      %dma_wait3A_270 = tpu.memref_slice %arg2[%dma_wait3A_268, %dma_wait3A_269] : memref<10000x128xf32, #tpu.memory_space<hbm>> -> memref<10000x128xf32, #tpu.memory_space<hbm>>
      tpu.wait_indirect_dma semaphore(%arg17 : memref<!tpu.dma_semaphore, #tpu.memory_space<semaphore_mem>>) src(%dma_wait3A_270 : memref<10000x128xf32, #tpu.memory_space<hbm>>) dst(%arg14 : memref<96x128xf32, #tpu.memory_space<vmem>>)
      %dma_start3A_271 = arith.constant 0 : i32
      %dma_start3A_272 = arith.constant 0 : i32
      %dma_start3A_273 = tpu.memref_slice %arg16[%dma_start3A_271, %dma_start3A_272] : memref<10240x128xf32, #tpu.memory_space<vmem_shared>> -> memref<10240x128xf32, #tpu.memory_space<vmem_shared>>
      tpu.enqueue_indirect_dma source(%arg14 : memref<96x128xf32, #tpu.memory_space<vmem>>) target(%dma_start3A_273 : memref<10240x128xf32, #tpu.memory_space<vmem_shared>>) offsets(%arg11 : memref<96xi32, #tpu.memory_space<vmem>>) semaphore(%arg18 : memref<!tpu.dma_semaphore, #tpu.memory_space<semaphore_mem>>) {add = true}
      %dma_wait3A_274 = arith.constant 0 : i32
      %dma_wait3A_275 = arith.constant 0 : i32
      %dma_wait3A_276 = tpu.memref_slice %arg2[%dma_wait3A_274, %dma_wait3A_275] : memref<10000x128xf32, #tpu.memory_space<hbm>> -> memref<10000x128xf32, #tpu.memory_space<hbm>>
      tpu.wait_indirect_dma semaphore(%arg17 : memref<!tpu.dma_semaphore, #tpu.memory_space<semaphore_mem>>) src(%dma_wait3A_276 : memref<10000x128xf32, #tpu.memory_space<hbm>>) dst(%arg15 : memref<96x128xf32, #tpu.memory_space<vmem>>)
      %dma_start3A_277 = arith.constant 0 : i32
      %dma_start3A_278 = arith.constant 0 : i32
      %dma_start3A_279 = tpu.memref_slice %arg16[%dma_start3A_277, %dma_start3A_278] : memref<10240x128xf32, #tpu.memory_space<vmem_shared>> -> memref<10240x128xf32, #tpu.memory_space<vmem_shared>>
      tpu.enqueue_indirect_dma source(%arg15 : memref<96x128xf32, #tpu.memory_space<vmem>>) target(%dma_start3A_279 : memref<10240x128xf32, #tpu.memory_space<vmem_shared>>) offsets(%arg12 : memref<96xi32, #tpu.memory_space<vmem>>) semaphore(%arg18 : memref<!tpu.dma_semaphore, #tpu.memory_space<semaphore_mem>>) {add = true}
      %add3A_280 = arith.constant 3 : i32
      %add3A_281 = arith.addi %add3A_261, %add3A_280 : i32
      %add3A_282 = arith.constant 0 : i32
      %add3A_283 = arith.addi %add3A_281, %add3A_282 : i32
      %lt3A = arith.constant 105 : i32
      %lt3A_284 = arith.cmpi slt, %add3A_283, %lt3A : i32
      %convert_element_type3A = arith.extui %lt3A_284 : i1 to i32
      %cond3A = arith.constant 0 : i32
      %cond3A_285 = arith.cmpi ne, %convert_element_type3A, %cond3A : i32
      scf.if %cond3A_285 {
        %dma_wait3A_304 = arith.constant 0 : i32
        %dma_wait3A_305 = arith.constant 0 : i32
        %dma_wait3A_306 = tpu.memref_slice %arg16[%dma_wait3A_304, %dma_wait3A_305] : memref<10240x128xf32, #tpu.memory_space<vmem_shared>> -> memref<10240x128xf32, #tpu.memory_space<vmem_shared>>
        tpu.wait_indirect_dma semaphore(%arg18 : memref<!tpu.dma_semaphore, #tpu.memory_space<semaphore_mem>>) src(%arg13 : memref<96x128xf32, #tpu.memory_space<vmem>>) dst(%dma_wait3A_306 : memref<10240x128xf32, #tpu.memory_space<vmem_shared>>)
        %add3A_307 = arith.constant 3 : i32
        %add3A_308 = arith.addi %add3A_261, %add3A_307 : i32
        %add3A_309 = arith.constant 0 : i32
        %add3A_310 = arith.addi %add3A_308, %add3A_309 : i32
        %mul3A_311 = arith.constant 96 : i32
        %mul3A_312 = arith.muli %add3A_310, %mul3A_311 : i32
        %add3A_313 = arith.constant 0 : i32
        %add3A_314 = arith.addi %mul3A_312, %add3A_313 : i32
        %get3A_315 = arith.index_cast %add3A_314 : i32 to index
        %get3A_316 = tpu.vector_load %arg6[%get3A_315] {strides = array<i32>} : memref<10080xi32, #tpu.memory_space<vmem>>, vector<16xi32>,
        %get3A_317 = vector.shape_cast %get3A_316 : vector<16xi32> to vector<16xi32>
        %shift_right_logical3A_318 = arith.shrui %get3A_317, %broadcast_in_dim3A_3 : vector<16xi32>
        %swap3A_319 = arith.constant 0 : index
        %swap3A_320 = tpu.vector_load %arg7[%swap3A_319] {strides = array<i32>} : memref<96xi32, #tpu.memory_space<vmem>>, vector<16xi32>,
        %swap3A_321 = vector.shape_cast %swap3A_320 : vector<16xi32> to vector<16xi32>
        %swap3A_322 = vector.shape_cast %shift_right_logical3A_318 : vector<16xi32> to vector<16xi32>
        tpu.vector_store %arg7[%swap3A_319], %swap3A_322 {strides = array<i32>} : memref<96xi32, #tpu.memory_space<vmem>>, vector<16xi32>,
        %and3A_323 = arith.andi %get3A_317, %broadcast_in_dim3A_5 : vector<16xi32>
        %swap3A_324 = arith.constant 0 : index
        %swap3A_325 = tpu.vector_load %arg10[%swap3A_324] {strides = array<i32>} : memref<96xi32, #tpu.memory_space<vmem>>, vector<16xi32>,
        %swap3A_326 = vector.shape_cast %swap3A_325 : vector<16xi32> to vector<16xi32>
        %swap3A_327 = vector.shape_cast %and3A_323 : vector<16xi32> to vector<16xi32>
        tpu.vector_store %arg10[%swap3A_324], %swap3A_327 {strides = array<i32>} : memref<96xi32, #tpu.memory_space<vmem>>, vector<16xi32>,
        %mul3A_328 = arith.constant 96 : i32
        %mul3A_329 = arith.muli %add3A_310, %mul3A_328 : i32
        %add3A_330 = arith.constant 16 : i32
        %add3A_331 = arith.addi %mul3A_329, %add3A_330 : i32
        %get3A_332 = arith.index_cast %add3A_331 : i32 to index
        %get3A_333 = tpu.vector_load %arg6[%get3A_332] {strides = array<i32>} : memref<10080xi32, #tpu.memory_space<vmem>>, vector<16xi32>,
        %get3A_334 = vector.shape_cast %get3A_333 : vector<16xi32> to vector<16xi32>
        %shift_right_logical3A_335 = arith.shrui %get3A_334, %broadcast_in_dim3A_3 : vector<16xi32>
        %swap3A_336 = arith.constant 16 : index
        %swap3A_337 = tpu.vector_load %arg7[%swap3A_336] {strides = array<i32>} : memref<96xi32, #tpu.memory_space<vmem>>, vector<16xi32>,
        %swap3A_338 = vector.shape_cast %swap3A_337 : vector<16xi32> to vector<16xi32>
        %swap3A_339 = vector.shape_cast %shift_right_logical3A_335 : vector<16xi32> to vector<16xi32>
        tpu.vector_store %arg7[%swap3A_336], %swap3A_339 {strides = array<i32>} : memref<96xi32, #tpu.memory_space<vmem>>, vector<16xi32>,
        %and3A_340 = arith.andi %get3A_334, %broadcast_in_dim3A_5 : vector<16xi32>
        %swap3A_341 = arith.constant 16 : index
        %swap3A_342 = tpu.vector_load %arg10[%swap3A_341] {strides = array<i32>} : memref<96xi32, #tpu.memory_space<vmem>>, vector<16xi32>,
        %swap3A_343 = vector.shape_cast %swap3A_342 : vector<16xi32> to vector<16xi32>
        %swap3A_344 = vector.shape_cast %and3A_340 : vector<16xi32> to vector<16xi32>
        tpu.vector_store %arg10[%swap3A_341], %swap3A_344 {strides = array<i32>} : memref<96xi32, #tpu.memory_space<vmem>>, vector<16xi32>,
        %mul3A_345 = arith.constant 96 : i32
        %mul3A_346 = arith.muli %add3A_310, %mul3A_345 : i32
        %add3A_347 = arith.constant 32 : i32
        %add3A_348 = arith.addi %mul3A_346, %add3A_347 : i32
        %get3A_349 = arith.index_cast %add3A_348 : i32 to index
        %get3A_350 = tpu.vector_load %arg6[%get3A_349] {strides = array<i32>} : memref<10080xi32, #tpu.memory_space<vmem>>, vector<16xi32>,
        %get3A_351 = vector.shape_cast %get3A_350 : vector<16xi32> to vector<16xi32>
        %shift_right_logical3A_352 = arith.shrui %get3A_351, %broadcast_in_dim3A_3 : vector<16xi32>
        %swap3A_353 = arith.constant 32 : index
        %swap3A_354 = tpu.vector_load %arg7[%swap3A_353] {strides = array<i32>} : memref<96xi32, #tpu.memory_space<vmem>>, vector<16xi32>,
        %swap3A_355 = vector.shape_cast %swap3A_354 : vector<16xi32> to vector<16xi32>
        %swap3A_356 = vector.shape_cast %shift_right_logical3A_352 : vector<16xi32> to vector<16xi32>
        tpu.vector_store %arg7[%swap3A_353], %swap3A_356 {strides = array<i32>} : memref<96xi32, #tpu.memory_space<vmem>>, vector<16xi32>,
        %and3A_357 = arith.andi %get3A_351, %broadcast_in_dim3A_5 : vector<16xi32>
        %swap3A_358 = arith.constant 32 : index
        %swap3A_359 = tpu.vector_load %arg10[%swap3A_358] {strides = array<i32>} : memref<96xi32, #tpu.memory_space<vmem>>, vector<16xi32>,
        %swap3A_360 = vector.shape_cast %swap3A_359 : vector<16xi32> to vector<16xi32>
        %swap3A_361 = vector.shape_cast %and3A_357 : vector<16xi32> to vector<16xi32>
        tpu.vector_store %arg10[%swap3A_358], %swap3A_361 {strides = array<i32>} : memref<96xi32, #tpu.memory_space<vmem>>, vector<16xi32>,
        %mul3A_362 = arith.constant 96 : i32
        %mul3A_363 = arith.muli %add3A_310, %mul3A_362 : i32
        %add3A_364 = arith.constant 48 : i32
        %add3A_365 = arith.addi %mul3A_363, %add3A_364 : i32
        %get3A_366 = arith.index_cast %add3A_365 : i32 to index
        %get3A_367 = tpu.vector_load %arg6[%get3A_366] {strides = array<i32>} : memref<10080xi32, #tpu.memory_space<vmem>>, vector<16xi32>,
        %get3A_368 = vector.shape_cast %get3A_367 : vector<16xi32> to vector<16xi32>
        %shift_right_logical3A_369 = arith.shrui %get3A_368, %broadcast_in_dim3A_3 : vector<16xi32>
        %swap3A_370 = arith.constant 48 : index
        %swap3A_371 = tpu.vector_load %arg7[%swap3A_370] {strides = array<i32>} : memref<96xi32, #tpu.memory_space<vmem>>, vector<16xi32>,
        %swap3A_372 = vector.shape_cast %swap3A_371 : vector<16xi32> to vector<16xi32>
        %swap3A_373 = vector.shape_cast %shift_right_logical3A_369 : vector<16xi32> to vector<16xi32>
        tpu.vector_store %arg7[%swap3A_370], %swap3A_373 {strides = array<i32>} : memref<96xi32, #tpu.memory_space<vmem>>, vector<16xi32>,
        %and3A_374 = arith.andi %get3A_368, %broadcast_in_dim3A_5 : vector<16xi32>
        %swap3A_375 = arith.constant 48 : index
        %swap3A_376 = tpu.vector_load %arg10[%swap3A_375] {strides = array<i32>} : memref<96xi32, #tpu.memory_space<vmem>>, vector<16xi32>,
        %swap3A_377 = vector.shape_cast %swap3A_376 : vector<16xi32> to vector<16xi32>
        %swap3A_378 = vector.shape_cast %and3A_374 : vector<16xi32> to vector<16xi32>
        tpu.vector_store %arg10[%swap3A_375], %swap3A_378 {strides = array<i32>} : memref<96xi32, #tpu.memory_space<vmem>>, vector<16xi32>,
        %mul3A_379 = arith.constant 96 : i32
        %mul3A_380 = arith.muli %add3A_310, %mul3A_379 : i32
        %add3A_381 = arith.constant 64 : i32
        %add3A_382 = arith.addi %mul3A_380, %add3A_381 : i32
        %get3A_383 = arith.index_cast %add3A_382 : i32 to index
        %get3A_384 = tpu.vector_load %arg6[%get3A_383] {strides = array<i32>} : memref<10080xi32, #tpu.memory_space<vmem>>, vector<16xi32>,
        %get3A_385 = vector.shape_cast %get3A_384 : vector<16xi32> to vector<16xi32>
        %shift_right_logical3A_386 = arith.shrui %get3A_385, %broadcast_in_dim3A_3 : vector<16xi32>
        %swap3A_387 = arith.constant 64 : index
        %swap3A_388 = tpu.vector_load %arg7[%swap3A_387] {strides = array<i32>} : memref<96xi32, #tpu.memory_space<vmem>>, vector<16xi32>,
        %swap3A_389 = vector.shape_cast %swap3A_388 : vector<16xi32> to vector<16xi32>
        %swap3A_390 = vector.shape_cast %shift_right_logical3A_386 : vector<16xi32> to vector<16xi32>
        tpu.vector_store %arg7[%swap3A_387], %swap3A_390 {strides = array<i32>} : memref<96xi32, #tpu.memory_space<vmem>>, vector<16xi32>,
        %and3A_391 = arith.andi %get3A_385, %broadcast_in_dim3A_5 : vector<16xi32>
        %swap3A_392 = arith.constant 64 : index
        %swap3A_393 = tpu.vector_load %arg10[%swap3A_392] {strides = array<i32>} : memref<96xi32, #tpu.memory_space<vmem>>, vector<16xi32>,
        %swap3A_394 = vector.shape_cast %swap3A_393 : vector<16xi32> to vector<16xi32>
        %swap3A_395 = vector.shape_cast %and3A_391 : vector<16xi32> to vector<16xi32>
        tpu.vector_store %arg10[%swap3A_392], %swap3A_395 {strides = array<i32>} : memref<96xi32, #tpu.memory_space<vmem>>, vector<16xi32>,
        %mul3A_396 = arith.constant 96 : i32
        %mul3A_397 = arith.muli %add3A_310, %mul3A_396 : i32
        %add3A_398 = arith.constant 80 : i32
        %add3A_399 = arith.addi %mul3A_397, %add3A_398 : i32
        %get3A_400 = arith.index_cast %add3A_399 : i32 to index
        %get3A_401 = tpu.vector_load %arg6[%get3A_400] {strides = array<i32>} : memref<10080xi32, #tpu.memory_space<vmem>>, vector<16xi32>,
        %get3A_402 = vector.shape_cast %get3A_401 : vector<16xi32> to vector<16xi32>
        %shift_right_logical3A_403 = arith.shrui %get3A_402, %broadcast_in_dim3A_3 : vector<16xi32>
        %swap3A_404 = arith.constant 80 : index
        %swap3A_405 = tpu.vector_load %arg7[%swap3A_404] {strides = array<i32>} : memref<96xi32, #tpu.memory_space<vmem>>, vector<16xi32>,
        %swap3A_406 = vector.shape_cast %swap3A_405 : vector<16xi32> to vector<16xi32>
        %swap3A_407 = vector.shape_cast %shift_right_logical3A_403 : vector<16xi32> to vector<16xi32>
        tpu.vector_store %arg7[%swap3A_404], %swap3A_407 {strides = array<i32>} : memref<96xi32, #tpu.memory_space<vmem>>, vector<16xi32>,
        %and3A_408 = arith.andi %get3A_402, %broadcast_in_dim3A_5 : vector<16xi32>
        %swap3A_409 = arith.constant 80 : index
        %swap3A_410 = tpu.vector_load %arg10[%swap3A_409] {strides = array<i32>} : memref<96xi32, #tpu.memory_space<vmem>>, vector<16xi32>,
        %swap3A_411 = vector.shape_cast %swap3A_410 : vector<16xi32> to vector<16xi32>
        %swap3A_412 = vector.shape_cast %and3A_408 : vector<16xi32> to vector<16xi32>
        tpu.vector_store %arg10[%swap3A_409], %swap3A_412 {strides = array<i32>} : memref<96xi32, #tpu.memory_space<vmem>>, vector<16xi32>,
        %dma_start3A_413 = arith.constant 0 : i32
        %dma_start3A_414 = arith.constant 0 : i32
        %dma_start3A_415 = tpu.memref_slice %arg2[%dma_start3A_413, %dma_start3A_414] : memref<10000x128xf32, #tpu.memory_space<hbm>> -> memref<10000x128xf32, #tpu.memory_space<hbm>>
        tpu.enqueue_indirect_dma source(%dma_start3A_415 : memref<10000x128xf32, #tpu.memory_space<hbm>>) target(%arg13 : memref<96x128xf32, #tpu.memory_space<vmem>>) offsets(%arg7 : memref<96xi32, #tpu.memory_space<vmem>>) semaphore(%arg17 : memref<!tpu.dma_semaphore, #tpu.memory_space<semaphore_mem>>)
      } else {
      }
      %add3A_286 = arith.constant 3 : i32
      %add3A_287 = arith.addi %add3A_261, %add3A_286 : i32
      %add3A_288 = arith.constant 1 : i32
      %add3A_289 = arith.addi %add3A_287, %add3A_288 : i32
      %lt3A_290 = arith.constant 105 : i32
      %lt3A_291 = arith.cmpi slt, %add3A_289, %lt3A_290 : i32
      %convert_element_type3A_292 = arith.extui %lt3A_291 : i1 to i32
      %cond3A_293 = arith.constant 0 : i32
      %cond3A_294 = arith.cmpi ne, %convert_element_type3A_292, %cond3A_293 : i32
      scf.if %cond3A_294 {
        %dma_wait3A_304 = arith.constant 0 : i32
        %dma_wait3A_305 = arith.constant 0 : i32
        %dma_wait3A_306 = tpu.memref_slice %arg16[%dma_wait3A_304, %dma_wait3A_305] : memref<10240x128xf32, #tpu.memory_space<vmem_shared>> -> memref<10240x128xf32, #tpu.memory_space<vmem_shared>>
        tpu.wait_indirect_dma semaphore(%arg18 : memref<!tpu.dma_semaphore, #tpu.memory_space<semaphore_mem>>) src(%arg14 : memref<96x128xf32, #tpu.memory_space<vmem>>) dst(%dma_wait3A_306 : memref<10240x128xf32, #tpu.memory_space<vmem_shared>>)
        %add3A_307 = arith.constant 3 : i32
        %add3A_308 = arith.addi %add3A_261, %add3A_307 : i32
        %add3A_309 = arith.constant 1 : i32
        %add3A_310 = arith.addi %add3A_308, %add3A_309 : i32
        %mul3A_311 = arith.constant 96 : i32
        %mul3A_312 = arith.muli %add3A_310, %mul3A_311 : i32
        %add3A_313 = arith.constant 0 : i32
        %add3A_314 = arith.addi %mul3A_312, %add3A_313 : i32
        %get3A_315 = arith.index_cast %add3A_314 : i32 to index
        %get3A_316 = tpu.vector_load %arg6[%get3A_315] {strides = array<i32>} : memref<10080xi32, #tpu.memory_space<vmem>>, vector<16xi32>,
        %get3A_317 = vector.shape_cast %get3A_316 : vector<16xi32> to vector<16xi32>
        %shift_right_logical3A_318 = arith.shrui %get3A_317, %broadcast_in_dim3A_3 : vector<16xi32>
        %swap3A_319 = arith.constant 0 : index
        %swap3A_320 = tpu.vector_load %arg8[%swap3A_319] {strides = array<i32>} : memref<96xi32, #tpu.memory_space<vmem>>, vector<16xi32>,
        %swap3A_321 = vector.shape_cast %swap3A_320 : vector<16xi32> to vector<16xi32>
        %swap3A_322 = vector.shape_cast %shift_right_logical3A_318 : vector<16xi32> to vector<16xi32>
        tpu.vector_store %arg8[%swap3A_319], %swap3A_322 {strides = array<i32>} : memref<96xi32, #tpu.memory_space<vmem>>, vector<16xi32>,
        %and3A_323 = arith.andi %get3A_317, %broadcast_in_dim3A_5 : vector<16xi32>
        %swap3A_324 = arith.constant 0 : index
        %swap3A_325 = tpu.vector_load %arg11[%swap3A_324] {strides = array<i32>} : memref<96xi32, #tpu.memory_space<vmem>>, vector<16xi32>,
        %swap3A_326 = vector.shape_cast %swap3A_325 : vector<16xi32> to vector<16xi32>
        %swap3A_327 = vector.shape_cast %and3A_323 : vector<16xi32> to vector<16xi32>
        tpu.vector_store %arg11[%swap3A_324], %swap3A_327 {strides = array<i32>} : memref<96xi32, #tpu.memory_space<vmem>>, vector<16xi32>,
        %mul3A_328 = arith.constant 96 : i32
        %mul3A_329 = arith.muli %add3A_310, %mul3A_328 : i32
        %add3A_330 = arith.constant 16 : i32
        %add3A_331 = arith.addi %mul3A_329, %add3A_330 : i32
        %get3A_332 = arith.index_cast %add3A_331 : i32 to index
        %get3A_333 = tpu.vector_load %arg6[%get3A_332] {strides = array<i32>} : memref<10080xi32, #tpu.memory_space<vmem>>, vector<16xi32>,
        %get3A_334 = vector.shape_cast %get3A_333 : vector<16xi32> to vector<16xi32>
        %shift_right_logical3A_335 = arith.shrui %get3A_334, %broadcast_in_dim3A_3 : vector<16xi32>
        %swap3A_336 = arith.constant 16 : index
        %swap3A_337 = tpu.vector_load %arg8[%swap3A_336] {strides = array<i32>} : memref<96xi32, #tpu.memory_space<vmem>>, vector<16xi32>,
        %swap3A_338 = vector.shape_cast %swap3A_337 : vector<16xi32> to vector<16xi32>
        %swap3A_339 = vector.shape_cast %shift_right_logical3A_335 : vector<16xi32> to vector<16xi32>
        tpu.vector_store %arg8[%swap3A_336], %swap3A_339 {strides = array<i32>} : memref<96xi32, #tpu.memory_space<vmem>>, vector<16xi32>,
        %and3A_340 = arith.andi %get3A_334, %broadcast_in_dim3A_5 : vector<16xi32>
        %swap3A_341 = arith.constant 16 : index
        %swap3A_342 = tpu.vector_load %arg11[%swap3A_341] {strides = array<i32>} : memref<96xi32, #tpu.memory_space<vmem>>, vector<16xi32>,
        %swap3A_343 = vector.shape_cast %swap3A_342 : vector<16xi32> to vector<16xi32>
        %swap3A_344 = vector.shape_cast %and3A_340 : vector<16xi32> to vector<16xi32>
        tpu.vector_store %arg11[%swap3A_341], %swap3A_344 {strides = array<i32>} : memref<96xi32, #tpu.memory_space<vmem>>, vector<16xi32>,
        %mul3A_345 = arith.constant 96 : i32
        %mul3A_346 = arith.muli %add3A_310, %mul3A_345 : i32
        %add3A_347 = arith.constant 32 : i32
        %add3A_348 = arith.addi %mul3A_346, %add3A_347 : i32
        %get3A_349 = arith.index_cast %add3A_348 : i32 to index
        %get3A_350 = tpu.vector_load %arg6[%get3A_349] {strides = array<i32>} : memref<10080xi32, #tpu.memory_space<vmem>>, vector<16xi32>,
        %get3A_351 = vector.shape_cast %get3A_350 : vector<16xi32> to vector<16xi32>
        %shift_right_logical3A_352 = arith.shrui %get3A_351, %broadcast_in_dim3A_3 : vector<16xi32>
        %swap3A_353 = arith.constant 32 : index
        %swap3A_354 = tpu.vector_load %arg8[%swap3A_353] {strides = array<i32>} : memref<96xi32, #tpu.memory_space<vmem>>, vector<16xi32>,
        %swap3A_355 = vector.shape_cast %swap3A_354 : vector<16xi32> to vector<16xi32>
        %swap3A_356 = vector.shape_cast %shift_right_logical3A_352 : vector<16xi32> to vector<16xi32>
        tpu.vector_store %arg8[%swap3A_353], %swap3A_356 {strides = array<i32>} : memref<96xi32, #tpu.memory_space<vmem>>, vector<16xi32>,
        %and3A_357 = arith.andi %get3A_351, %broadcast_in_dim3A_5 : vector<16xi32>
        %swap3A_358 = arith.constant 32 : index
        %swap3A_359 = tpu.vector_load %arg11[%swap3A_358] {strides = array<i32>} : memref<96xi32, #tpu.memory_space<vmem>>, vector<16xi32>,
        %swap3A_360 = vector.shape_cast %swap3A_359 : vector<16xi32> to vector<16xi32>
        %swap3A_361 = vector.shape_cast %and3A_357 : vector<16xi32> to vector<16xi32>
        tpu.vector_store %arg11[%swap3A_358], %swap3A_361 {strides = array<i32>} : memref<96xi32, #tpu.memory_space<vmem>>, vector<16xi32>,
        %mul3A_362 = arith.constant 96 : i32
        %mul3A_363 = arith.muli %add3A_310, %mul3A_362 : i32
        %add3A_364 = arith.constant 48 : i32
        %add3A_365 = arith.addi %mul3A_363, %add3A_364 : i32
        %get3A_366 = arith.index_cast %add3A_365 : i32 to index
        %get3A_367 = tpu.vector_load %arg6[%get3A_366] {strides = array<i32>} : memref<10080xi32, #tpu.memory_space<vmem>>, vector<16xi32>,
        %get3A_368 = vector.shape_cast %get3A_367 : vector<16xi32> to vector<16xi32>
        %shift_right_logical3A_369 = arith.shrui %get3A_368, %broadcast_in_dim3A_3 : vector<16xi32>
        %swap3A_370 = arith.constant 48 : index
        %swap3A_371 = tpu.vector_load %arg8[%swap3A_370] {strides = array<i32>} : memref<96xi32, #tpu.memory_space<vmem>>, vector<16xi32>,
        %swap3A_372 = vector.shape_cast %swap3A_371 : vector<16xi32> to vector<16xi32>
        %swap3A_373 = vector.shape_cast %shift_right_logical3A_369 : vector<16xi32> to vector<16xi32>
        tpu.vector_store %arg8[%swap3A_370], %swap3A_373 {strides = array<i32>} : memref<96xi32, #tpu.memory_space<vmem>>, vector<16xi32>,
        %and3A_374 = arith.andi %get3A_368, %broadcast_in_dim3A_5 : vector<16xi32>
        %swap3A_375 = arith.constant 48 : index
        %swap3A_376 = tpu.vector_load %arg11[%swap3A_375] {strides = array<i32>} : memref<96xi32, #tpu.memory_space<vmem>>, vector<16xi32>,
        %swap3A_377 = vector.shape_cast %swap3A_376 : vector<16xi32> to vector<16xi32>
        %swap3A_378 = vector.shape_cast %and3A_374 : vector<16xi32> to vector<16xi32>
        tpu.vector_store %arg11[%swap3A_375], %swap3A_378 {strides = array<i32>} : memref<96xi32, #tpu.memory_space<vmem>>, vector<16xi32>,
        %mul3A_379 = arith.constant 96 : i32
        %mul3A_380 = arith.muli %add3A_310, %mul3A_379 : i32
        %add3A_381 = arith.constant 64 : i32
        %add3A_382 = arith.addi %mul3A_380, %add3A_381 : i32
        %get3A_383 = arith.index_cast %add3A_382 : i32 to index
        %get3A_384 = tpu.vector_load %arg6[%get3A_383] {strides = array<i32>} : memref<10080xi32, #tpu.memory_space<vmem>>, vector<16xi32>,
        %get3A_385 = vector.shape_cast %get3A_384 : vector<16xi32> to vector<16xi32>
        %shift_right_logical3A_386 = arith.shrui %get3A_385, %broadcast_in_dim3A_3 : vector<16xi32>
        %swap3A_387 = arith.constant 64 : index
        %swap3A_388 = tpu.vector_load %arg8[%swap3A_387] {strides = array<i32>} : memref<96xi32, #tpu.memory_space<vmem>>, vector<16xi32>,
        %swap3A_389 = vector.shape_cast %swap3A_388 : vector<16xi32> to vector<16xi32>
        %swap3A_390 = vector.shape_cast %shift_right_logical3A_386 : vector<16xi32> to vector<16xi32>
        tpu.vector_store %arg8[%swap3A_387], %swap3A_390 {strides = array<i32>} : memref<96xi32, #tpu.memory_space<vmem>>, vector<16xi32>,
        %and3A_391 = arith.andi %get3A_385, %broadcast_in_dim3A_5 : vector<16xi32>
        %swap3A_392 = arith.constant 64 : index
        %swap3A_393 = tpu.vector_load %arg11[%swap3A_392] {strides = array<i32>} : memref<96xi32, #tpu.memory_space<vmem>>, vector<16xi32>,
        %swap3A_394 = vector.shape_cast %swap3A_393 : vector<16xi32> to vector<16xi32>
        %swap3A_395 = vector.shape_cast %and3A_391 : vector<16xi32> to vector<16xi32>
        tpu.vector_store %arg11[%swap3A_392], %swap3A_395 {strides = array<i32>} : memref<96xi32, #tpu.memory_space<vmem>>, vector<16xi32>,
        %mul3A_396 = arith.constant 96 : i32
        %mul3A_397 = arith.muli %add3A_310, %mul3A_396 : i32
        %add3A_398 = arith.constant 80 : i32
        %add3A_399 = arith.addi %mul3A_397, %add3A_398 : i32
        %get3A_400 = arith.index_cast %add3A_399 : i32 to index
        %get3A_401 = tpu.vector_load %arg6[%get3A_400] {strides = array<i32>} : memref<10080xi32, #tpu.memory_space<vmem>>, vector<16xi32>,
        %get3A_402 = vector.shape_cast %get3A_401 : vector<16xi32> to vector<16xi32>
        %shift_right_logical3A_403 = arith.shrui %get3A_402, %broadcast_in_dim3A_3 : vector<16xi32>
        %swap3A_404 = arith.constant 80 : index
        %swap3A_405 = tpu.vector_load %arg8[%swap3A_404] {strides = array<i32>} : memref<96xi32, #tpu.memory_space<vmem>>, vector<16xi32>,
        %swap3A_406 = vector.shape_cast %swap3A_405 : vector<16xi32> to vector<16xi32>
        %swap3A_407 = vector.shape_cast %shift_right_logical3A_403 : vector<16xi32> to vector<16xi32>
        tpu.vector_store %arg8[%swap3A_404], %swap3A_407 {strides = array<i32>} : memref<96xi32, #tpu.memory_space<vmem>>, vector<16xi32>,
        %and3A_408 = arith.andi %get3A_402, %broadcast_in_dim3A_5 : vector<16xi32>
        %swap3A_409 = arith.constant 80 : index
        %swap3A_410 = tpu.vector_load %arg11[%swap3A_409] {strides = array<i32>} : memref<96xi32, #tpu.memory_space<vmem>>, vector<16xi32>,
        %swap3A_411 = vector.shape_cast %swap3A_410 : vector<16xi32> to vector<16xi32>
        %swap3A_412 = vector.shape_cast %and3A_408 : vector<16xi32> to vector<16xi32>
        tpu.vector_store %arg11[%swap3A_409], %swap3A_412 {strides = array<i32>} : memref<96xi32, #tpu.memory_space<vmem>>, vector<16xi32>,
        %dma_start3A_413 = arith.constant 0 : i32
        %dma_start3A_414 = arith.constant 0 : i32
        %dma_start3A_415 = tpu.memref_slice %arg2[%dma_start3A_413, %dma_start3A_414] : memref<10000x128xf32, #tpu.memory_space<hbm>> -> memref<10000x128xf32, #tpu.memory_space<hbm>>
        tpu.enqueue_indirect_dma source(%dma_start3A_415 : memref<10000x128xf32, #tpu.memory_space<hbm>>) target(%arg14 : memref<96x128xf32, #tpu.memory_space<vmem>>) offsets(%arg8 : memref<96xi32, #tpu.memory_space<vmem>>) semaphore(%arg17 : memref<!tpu.dma_semaphore, #tpu.memory_space<semaphore_mem>>)
      } else {
      }
      %add3A_295 = arith.constant 3 : i32
      %add3A_296 = arith.addi %add3A_261, %add3A_295 : i32
      %add3A_297 = arith.constant 2 : i32
      %add3A_298 = arith.addi %add3A_296, %add3A_297 : i32
      %lt3A_299 = arith.constant 105 : i32
      %lt3A_300 = arith.cmpi slt, %add3A_298, %lt3A_299 : i32
      %convert_element_type3A_301 = arith.extui %lt3A_300 : i1 to i32
      %cond3A_302 = arith.constant 0 : i32
      %cond3A_303 = arith.cmpi ne, %convert_element_type3A_301, %cond3A_302 : i32
      scf.if %cond3A_303 {
        %dma_wait3A_304 = arith.constant 0 : i32
        %dma_wait3A_305 = arith.constant 0 : i32
        %dma_wait3A_306 = tpu.memref_slice %arg16[%dma_wait3A_304, %dma_wait3A_305] : memref<10240x128xf32, #tpu.memory_space<vmem_shared>> -> memref<10240x128xf32, #tpu.memory_space<vmem_shared>>
        tpu.wait_indirect_dma semaphore(%arg18 : memref<!tpu.dma_semaphore, #tpu.memory_space<semaphore_mem>>) src(%arg15 : memref<96x128xf32, #tpu.memory_space<vmem>>) dst(%dma_wait3A_306 : memref<10240x128xf32, #tpu.memory_space<vmem_shared>>)
        %add3A_307 = arith.constant 3 : i32
        %add3A_308 = arith.addi %add3A_261, %add3A_307 : i32
        %add3A_309 = arith.constant 2 : i32
        %add3A_310 = arith.addi %add3A_308, %add3A_309 : i32
        %mul3A_311 = arith.constant 96 : i32
        %mul3A_312 = arith.muli %add3A_310, %mul3A_311 : i32
        %add3A_313 = arith.constant 0 : i32
        %add3A_314 = arith.addi %mul3A_312, %add3A_313 : i32
        %get3A_315 = arith.index_cast %add3A_314 : i32 to index
        %get3A_316 = tpu.vector_load %arg6[%get3A_315] {strides = array<i32>} : memref<10080xi32, #tpu.memory_space<vmem>>, vector<16xi32>,
        %get3A_317 = vector.shape_cast %get3A_316 : vector<16xi32> to vector<16xi32>
        %shift_right_logical3A_318 = arith.shrui %get3A_317, %broadcast_in_dim3A_3 : vector<16xi32>
        %swap3A_319 = arith.constant 0 : index
        %swap3A_320 = tpu.vector_load %arg9[%swap3A_319] {strides = array<i32>} : memref<96xi32, #tpu.memory_space<vmem>>, vector<16xi32>,
        %swap3A_321 = vector.shape_cast %swap3A_320 : vector<16xi32> to vector<16xi32>
        %swap3A_322 = vector.shape_cast %shift_right_logical3A_318 : vector<16xi32> to vector<16xi32>
        tpu.vector_store %arg9[%swap3A_319], %swap3A_322 {strides = array<i32>} : memref<96xi32, #tpu.memory_space<vmem>>, vector<16xi32>,
        %and3A_323 = arith.andi %get3A_317, %broadcast_in_dim3A_5 : vector<16xi32>
        %swap3A_324 = arith.constant 0 : index
        %swap3A_325 = tpu.vector_load %arg12[%swap3A_324] {strides = array<i32>} : memref<96xi32, #tpu.memory_space<vmem>>, vector<16xi32>,
        %swap3A_326 = vector.shape_cast %swap3A_325 : vector<16xi32> to vector<16xi32>
        %swap3A_327 = vector.shape_cast %and3A_323 : vector<16xi32> to vector<16xi32>
        tpu.vector_store %arg12[%swap3A_324], %swap3A_327 {strides = array<i32>} : memref<96xi32, #tpu.memory_space<vmem>>, vector<16xi32>,
        %mul3A_328 = arith.constant 96 : i32
        %mul3A_329 = arith.muli %add3A_310, %mul3A_328 : i32
        %add3A_330 = arith.constant 16 : i32
        %add3A_331 = arith.addi %mul3A_329, %add3A_330 : i32
        %get3A_332 = arith.index_cast %add3A_331 : i32 to index
        %get3A_333 = tpu.vector_load %arg6[%get3A_332] {strides = array<i32>} : memref<10080xi32, #tpu.memory_space<vmem>>, vector<16xi32>,
        %get3A_334 = vector.shape_cast %get3A_333 : vector<16xi32> to vector<16xi32>
        %shift_right_logical3A_335 = arith.shrui %get3A_334, %broadcast_in_dim3A_3 : vector<16xi32>
        %swap3A_336 = arith.constant 16 : index
        %swap3A_337 = tpu.vector_load %arg9[%swap3A_336] {strides = array<i32>} : memref<96xi32, #tpu.memory_space<vmem>>, vector<16xi32>,
        %swap3A_338 = vector.shape_cast %swap3A_337 : vector<16xi32> to vector<16xi32>
        %swap3A_339 = vector.shape_cast %shift_right_logical3A_335 : vector<16xi32> to vector<16xi32>
        tpu.vector_store %arg9[%swap3A_336], %swap3A_339 {strides = array<i32>} : memref<96xi32, #tpu.memory_space<vmem>>, vector<16xi32>,
        %and3A_340 = arith.andi %get3A_334, %broadcast_in_dim3A_5 : vector<16xi32>
        %swap3A_341 = arith.constant 16 : index
        %swap3A_342 = tpu.vector_load %arg12[%swap3A_341] {strides = array<i32>} : memref<96xi32, #tpu.memory_space<vmem>>, vector<16xi32>,
        %swap3A_343 = vector.shape_cast %swap3A_342 : vector<16xi32> to vector<16xi32>
        %swap3A_344 = vector.shape_cast %and3A_340 : vector<16xi32> to vector<16xi32>
        tpu.vector_store %arg12[%swap3A_341], %swap3A_344 {strides = array<i32>} : memref<96xi32, #tpu.memory_space<vmem>>, vector<16xi32>,
        %mul3A_345 = arith.constant 96 : i32
        %mul3A_346 = arith.muli %add3A_310, %mul3A_345 : i32
        %add3A_347 = arith.constant 32 : i32
        %add3A_348 = arith.addi %mul3A_346, %add3A_347 : i32
        %get3A_349 = arith.index_cast %add3A_348 : i32 to index
        %get3A_350 = tpu.vector_load %arg6[%get3A_349] {strides = array<i32>} : memref<10080xi32, #tpu.memory_space<vmem>>, vector<16xi32>,
        %get3A_351 = vector.shape_cast %get3A_350 : vector<16xi32> to vector<16xi32>
        %shift_right_logical3A_352 = arith.shrui %get3A_351, %broadcast_in_dim3A_3 : vector<16xi32>
        %swap3A_353 = arith.constant 32 : index
        %swap3A_354 = tpu.vector_load %arg9[%swap3A_353] {strides = array<i32>} : memref<96xi32, #tpu.memory_space<vmem>>, vector<16xi32>,
        %swap3A_355 = vector.shape_cast %swap3A_354 : vector<16xi32> to vector<16xi32>
        %swap3A_356 = vector.shape_cast %shift_right_logical3A_352 : vector<16xi32> to vector<16xi32>
        tpu.vector_store %arg9[%swap3A_353], %swap3A_356 {strides = array<i32>} : memref<96xi32, #tpu.memory_space<vmem>>, vector<16xi32>,
        %and3A_357 = arith.andi %get3A_351, %broadcast_in_dim3A_5 : vector<16xi32>
        %swap3A_358 = arith.constant 32 : index
        %swap3A_359 = tpu.vector_load %arg12[%swap3A_358] {strides = array<i32>} : memref<96xi32, #tpu.memory_space<vmem>>, vector<16xi32>,
        %swap3A_360 = vector.shape_cast %swap3A_359 : vector<16xi32> to vector<16xi32>
        %swap3A_361 = vector.shape_cast %and3A_357 : vector<16xi32> to vector<16xi32>
        tpu.vector_store %arg12[%swap3A_358], %swap3A_361 {strides = array<i32>} : memref<96xi32, #tpu.memory_space<vmem>>, vector<16xi32>,
        %mul3A_362 = arith.constant 96 : i32
        %mul3A_363 = arith.muli %add3A_310, %mul3A_362 : i32
        %add3A_364 = arith.constant 48 : i32
        %add3A_365 = arith.addi %mul3A_363, %add3A_364 : i32
        %get3A_366 = arith.index_cast %add3A_365 : i32 to index
        %get3A_367 = tpu.vector_load %arg6[%get3A_366] {strides = array<i32>} : memref<10080xi32, #tpu.memory_space<vmem>>, vector<16xi32>,
        %get3A_368 = vector.shape_cast %get3A_367 : vector<16xi32> to vector<16xi32>
        %shift_right_logical3A_369 = arith.shrui %get3A_368, %broadcast_in_dim3A_3 : vector<16xi32>
        %swap3A_370 = arith.constant 48 : index
        %swap3A_371 = tpu.vector_load %arg9[%swap3A_370] {strides = array<i32>} : memref<96xi32, #tpu.memory_space<vmem>>, vector<16xi32>,
        %swap3A_372 = vector.shape_cast %swap3A_371 : vector<16xi32> to vector<16xi32>
        %swap3A_373 = vector.shape_cast %shift_right_logical3A_369 : vector<16xi32> to vector<16xi32>
        tpu.vector_store %arg9[%swap3A_370], %swap3A_373 {strides = array<i32>} : memref<96xi32, #tpu.memory_space<vmem>>, vector<16xi32>,
        %and3A_374 = arith.andi %get3A_368, %broadcast_in_dim3A_5 : vector<16xi32>
        %swap3A_375 = arith.constant 48 : index
        %swap3A_376 = tpu.vector_load %arg12[%swap3A_375] {strides = array<i32>} : memref<96xi32, #tpu.memory_space<vmem>>, vector<16xi32>,
        %swap3A_377 = vector.shape_cast %swap3A_376 : vector<16xi32> to vector<16xi32>
        %swap3A_378 = vector.shape_cast %and3A_374 : vector<16xi32> to vector<16xi32>
        tpu.vector_store %arg12[%swap3A_375], %swap3A_378 {strides = array<i32>} : memref<96xi32, #tpu.memory_space<vmem>>, vector<16xi32>,
        %mul3A_379 = arith.constant 96 : i32
        %mul3A_380 = arith.muli %add3A_310, %mul3A_379 : i32
        %add3A_381 = arith.constant 64 : i32
        %add3A_382 = arith.addi %mul3A_380, %add3A_381 : i32
        %get3A_383 = arith.index_cast %add3A_382 : i32 to index
        %get3A_384 = tpu.vector_load %arg6[%get3A_383] {strides = array<i32>} : memref<10080xi32, #tpu.memory_space<vmem>>, vector<16xi32>,
        %get3A_385 = vector.shape_cast %get3A_384 : vector<16xi32> to vector<16xi32>
        %shift_right_logical3A_386 = arith.shrui %get3A_385, %broadcast_in_dim3A_3 : vector<16xi32>
        %swap3A_387 = arith.constant 64 : index
        %swap3A_388 = tpu.vector_load %arg9[%swap3A_387] {strides = array<i32>} : memref<96xi32, #tpu.memory_space<vmem>>, vector<16xi32>,
        %swap3A_389 = vector.shape_cast %swap3A_388 : vector<16xi32> to vector<16xi32>
        %swap3A_390 = vector.shape_cast %shift_right_logical3A_386 : vector<16xi32> to vector<16xi32>
        tpu.vector_store %arg9[%swap3A_387], %swap3A_390 {strides = array<i32>} : memref<96xi32, #tpu.memory_space<vmem>>, vector<16xi32>,
        %and3A_391 = arith.andi %get3A_385, %broadcast_in_dim3A_5 : vector<16xi32>
        %swap3A_392 = arith.constant 64 : index
        %swap3A_393 = tpu.vector_load %arg12[%swap3A_392] {strides = array<i32>} : memref<96xi32, #tpu.memory_space<vmem>>, vector<16xi32>,
        %swap3A_394 = vector.shape_cast %swap3A_393 : vector<16xi32> to vector<16xi32>
        %swap3A_395 = vector.shape_cast %and3A_391 : vector<16xi32> to vector<16xi32>
        tpu.vector_store %arg12[%swap3A_392], %swap3A_395 {strides = array<i32>} : memref<96xi32, #tpu.memory_space<vmem>>, vector<16xi32>,
        %mul3A_396 = arith.constant 96 : i32
        %mul3A_397 = arith.muli %add3A_310, %mul3A_396 : i32
        %add3A_398 = arith.constant 80 : i32
        %add3A_399 = arith.addi %mul3A_397, %add3A_398 : i32
        %get3A_400 = arith.index_cast %add3A_399 : i32 to index
        %get3A_401 = tpu.vector_load %arg6[%get3A_400] {strides = array<i32>} : memref<10080xi32, #tpu.memory_space<vmem>>, vector<16xi32>,
        %get3A_402 = vector.shape_cast %get3A_401 : vector<16xi32> to vector<16xi32>
        %shift_right_logical3A_403 = arith.shrui %get3A_402, %broadcast_in_dim3A_3 : vector<16xi32>
        %swap3A_404 = arith.constant 80 : index
        %swap3A_405 = tpu.vector_load %arg9[%swap3A_404] {strides = array<i32>} : memref<96xi32, #tpu.memory_space<vmem>>, vector<16xi32>,
        %swap3A_406 = vector.shape_cast %swap3A_405 : vector<16xi32> to vector<16xi32>
        %swap3A_407 = vector.shape_cast %shift_right_logical3A_403 : vector<16xi32> to vector<16xi32>
        tpu.vector_store %arg9[%swap3A_404], %swap3A_407 {strides = array<i32>} : memref<96xi32, #tpu.memory_space<vmem>>, vector<16xi32>,
        %and3A_408 = arith.andi %get3A_402, %broadcast_in_dim3A_5 : vector<16xi32>
        %swap3A_409 = arith.constant 80 : index
        %swap3A_410 = tpu.vector_load %arg12[%swap3A_409] {strides = array<i32>} : memref<96xi32, #tpu.memory_space<vmem>>, vector<16xi32>,
        %swap3A_411 = vector.shape_cast %swap3A_410 : vector<16xi32> to vector<16xi32>
        %swap3A_412 = vector.shape_cast %and3A_408 : vector<16xi32> to vector<16xi32>
        tpu.vector_store %arg12[%swap3A_409], %swap3A_412 {strides = array<i32>} : memref<96xi32, #tpu.memory_space<vmem>>, vector<16xi32>,
        %dma_start3A_413 = arith.constant 0 : i32
        %dma_start3A_414 = arith.constant 0 : i32
        %dma_start3A_415 = tpu.memref_slice %arg2[%dma_start3A_413, %dma_start3A_414] : memref<10000x128xf32, #tpu.memory_space<hbm>> -> memref<10000x128xf32, #tpu.memory_space<hbm>>
        tpu.enqueue_indirect_dma source(%dma_start3A_415 : memref<10000x128xf32, #tpu.memory_space<hbm>>) target(%arg15 : memref<96x128xf32, #tpu.memory_space<vmem>>) offsets(%arg9 : memref<96xi32, #tpu.memory_space<vmem>>) semaphore(%arg17 : memref<!tpu.dma_semaphore, #tpu.memory_space<semaphore_mem>>)
      } else {
      }
    }
    %scan3A_247 = arith.constant 35 : i32
    %dma_wait3A = arith.constant 0 : i32
    %dma_wait3A_248 = arith.constant 0 : i32
    %dma_wait3A_249 = tpu.memref_slice %arg16[%dma_wait3A, %dma_wait3A_248] : memref<10240x128xf32, #tpu.memory_space<vmem_shared>> -> memref<10240x128xf32, #tpu.memory_space<vmem_shared>>
    tpu.wait_indirect_dma semaphore(%arg18 : memref<!tpu.dma_semaphore, #tpu.memory_space<semaphore_mem>>) src(%arg13 : memref<96x128xf32, #tpu.memory_space<vmem>>) dst(%dma_wait3A_249 : memref<10240x128xf32, #tpu.memory_space<vmem_shared>>)
    %dma_wait3A_250 = arith.constant 0 : i32
    %dma_wait3A_251 = arith.constant 0 : i32
    %dma_wait3A_252 = tpu.memref_slice %arg16[%dma_wait3A_250, %dma_wait3A_251] : memref<10240x128xf32, #tpu.memory_space<vmem_shared>> -> memref<10240x128xf32, #tpu.memory_space<vmem_shared>>
    tpu.wait_indirect_dma semaphore(%arg18 : memref<!tpu.dma_semaphore, #tpu.memory_space<semaphore_mem>>) src(%arg14 : memref<96x128xf32, #tpu.memory_space<vmem>>) dst(%dma_wait3A_252 : memref<10240x128xf32, #tpu.memory_space<vmem_shared>>)
    %dma_wait3A_253 = arith.constant 0 : i32
    %dma_wait3A_254 = arith.constant 0 : i32
    %dma_wait3A_255 = tpu.memref_slice %arg16[%dma_wait3A_253, %dma_wait3A_254] : memref<10240x128xf32, #tpu.memory_space<vmem_shared>> -> memref<10240x128xf32, #tpu.memory_space<vmem_shared>>
    tpu.wait_indirect_dma semaphore(%arg18 : memref<!tpu.dma_semaphore, #tpu.memory_space<semaphore_mem>>) src(%arg15 : memref<96x128xf32, #tpu.memory_space<vmem>>) dst(%dma_wait3A_255 : memref<10240x128xf32, #tpu.memory_space<vmem_shared>>)
    %barrier3A_256 = arith.constant 0 : index
    tpu.barrier barrier_id(%barrier3A_256)
    "tpu.region"() ({
      %run_scoped3A = tpu.sem_alloc : memref<!tpu.dma_semaphore, #tpu.memory_space<semaphore_mem>>
      %dma_start3A_257 = arith.constant 0 : i32
      %dma_start3A_258 = tpu.memref_slice %arg5[%arg0, %mul3A_2, %dma_start3A_257] : memref<2x10240x128xf32, #tpu.memory_space<hbm>> -> memref<1x640x128xf32, #tpu.memory_space<hbm>>
      %dma_start3A_259 = tpu.memref_squeeze %dma_start3A_258 : memref<1x640x128xf32, #tpu.memory_space<hbm>> -> memref<640x128xf32, #tpu.memory_space<hbm>>
      %dma_start3A_260 = arith.constant 0 : i32
      %dma_start3A_261 = tpu.memref_slice %arg16[%mul3A_2, %dma_start3A_260] : memref<10240x128xf32, #tpu.memory_space<vmem_shared>> -> memref<640x128xf32, #tpu.memory_space<vmem_shared>>
      tpu.enqueue_dma source(%dma_start3A_261 : memref<640x128xf32, #tpu.memory_space<vmem_shared>>) target(%dma_start3A_259 : memref<640x128xf32, #tpu.memory_space<hbm>>) target_semaphore(%run_scoped3A : memref<!tpu.dma_semaphore, #tpu.memory_space<semaphore_mem>>)
      %dma_wait3A_262 = arith.constant 0 : i32
      %dma_wait3A_263 = tpu.memref_slice %arg5[%arg0, %mul3A_2, %dma_wait3A_262] : memref<2x10240x128xf32, #tpu.memory_space<hbm>> -> memref<1x640x128xf32, #tpu.memory_space<hbm>>
      %dma_wait3A_264 = tpu.memref_squeeze %dma_wait3A_263 : memref<1x640x128xf32, #tpu.memory_space<hbm>> -> memref<640x128xf32, #tpu.memory_space<hbm>>
      %dma_wait3A_265 = arith.constant 0 : i32
      %dma_wait3A_266 = tpu.memref_slice %arg16[%mul3A_2, %dma_wait3A_265] : memref<10240x128xf32, #tpu.memory_space<vmem_shared>> -> memref<640x128xf32, #tpu.memory_space<vmem_shared>>
      tpu.wait_dma2 semaphore(%run_scoped3A : memref<!tpu.dma_semaphore, #tpu.memory_space<semaphore_mem>>) src(%dma_wait3A_266 : memref<640x128xf32, #tpu.memory_space<vmem_shared>>) dst(%dma_wait3A_264 : memref<640x128xf32, #tpu.memory_space<hbm>>)
      tpu.yield
    }) : () -> ()
    return
  }
}

#map = affine_map<(d0, d1) -> (0, 0, 0)>
#map1 = affine_map<(d0, d1) -> (0)>
module attributes {stable_mosaic.version = 14 : i64} {
  func.func @k(%arg0: i32, %arg1: i32, %arg2: memref<32x80x125xi32, #tpu.memory_space<hbm>>, %arg3: memref<125xf32, #tpu.memory_space<hbm>>, %arg4: memref<10000xf32, #tpu.memory_space<hbm>>, %arg5: memref<2x1x10000xf32, #tpu.memory_space<hbm>>, %arg6: memref<80x125xi32, #tpu.memory_space<vmem>>, %arg7: memref<125xf32, #tpu.memory_space<vmem>>, %arg8: memref<10000xf32, #tpu.memory_space<vmem_shared>>) attributes {dimension_semantics = [#tpu.dimension_semantics<core_parallel>, #tpu.dimension_semantics<subcore_parallel>], iteration_bounds = array<i64: 2, 16>, scalar_prefetch = 0 : i64, scratch_operands = 3 : i64, tpu.core_type = #tpu.core_type<sc_vector_subcore>, window_params = [{transform_indices = #map}, {transform_indices = #map1}, {transform_indices = #map1}, {transform_indices = #map}]} {
    %mul3A = arith.constant 2 : i32
    %mul3A_0 = arith.muli %arg1, %mul3A : i32
    %add3A = arith.addi %mul3A_0, %arg0 : i32
    %eq3A = arith.constant 0 : i32
    %eq3A_1 = arith.cmpi eq, %arg1, %eq3A : i32
    %convert_element_type3A = arith.extui %eq3A_1 : i1 to i32
    %cond3A = arith.constant 0 : i32
    %cond3A_2 = arith.cmpi ne, %convert_element_type3A, %cond3A : i32
    scf.if %cond3A_2 {
      "tpu.region"() ({
        %run_scoped3A = tpu.sem_alloc : memref<!tpu.dma_semaphore, #tpu.memory_space<semaphore_mem>>
        tpu.enqueue_dma source(%arg4 : memref<10000xf32, #tpu.memory_space<hbm>>) target(%arg8 : memref<10000xf32, #tpu.memory_space<vmem_shared>>) target_semaphore(%run_scoped3A : memref<!tpu.dma_semaphore, #tpu.memory_space<semaphore_mem>>)
        tpu.wait_dma2 semaphore(%run_scoped3A : memref<!tpu.dma_semaphore, #tpu.memory_space<semaphore_mem>>) src(%arg4 : memref<10000xf32, #tpu.memory_space<hbm>>) dst(%arg8 : memref<10000xf32, #tpu.memory_space<vmem_shared>>)
        tpu.yield
      }) : () -> ()
    } else {
    }
    "tpu.region"() ({
      %run_scoped3A = tpu.sem_alloc : memref<!tpu.dma_semaphore, #tpu.memory_space<semaphore_mem>>
      tpu.enqueue_dma source(%arg3 : memref<125xf32, #tpu.memory_space<hbm>>) target(%arg7 : memref<125xf32, #tpu.memory_space<vmem>>) target_semaphore(%run_scoped3A : memref<!tpu.dma_semaphore, #tpu.memory_space<semaphore_mem>>)
      tpu.wait_dma2 semaphore(%run_scoped3A : memref<!tpu.dma_semaphore, #tpu.memory_space<semaphore_mem>>) src(%arg3 : memref<125xf32, #tpu.memory_space<hbm>>) dst(%arg7 : memref<125xf32, #tpu.memory_space<vmem>>)
      tpu.yield
    }) : () -> ()
    "tpu.region"() ({
      %run_scoped3A = tpu.sem_alloc : memref<!tpu.dma_semaphore, #tpu.memory_space<semaphore_mem>>
      %dma_start3A = arith.constant 0 : i32
      %dma_start3A_13 = arith.constant 0 : i32
      %dma_start3A_14 = tpu.memref_slice %arg2[%add3A, %dma_start3A, %dma_start3A_13] : memref<32x80x125xi32, #tpu.memory_space<hbm>> -> memref<1x80x125xi32, #tpu.memory_space<hbm>>
      %dma_start3A_15 = tpu.memref_squeeze %dma_start3A_14 : memref<1x80x125xi32, #tpu.memory_space<hbm>> -> memref<80x125xi32, #tpu.memory_space<hbm>>
      %dma_start3A_16 = arith.constant 0 : i32
      %dma_start3A_17 = arith.constant 0 : i32
      %dma_start3A_18 = tpu.memref_slice %arg2[%add3A, %dma_start3A_16, %dma_start3A_17] : memref<32x80x125xi32, #tpu.memory_space<hbm>> -> memref<1x80x125xi32, #tpu.memory_space<hbm>>
      %dma_start3A_19 = tpu.memref_squeeze %dma_start3A_18 : memref<1x80x125xi32, #tpu.memory_space<hbm>> -> memref<80x125xi32, #tpu.memory_space<hbm>>
      tpu.enqueue_dma source(%dma_start3A_19 : memref<80x125xi32, #tpu.memory_space<hbm>>) target(%arg6 : memref<80x125xi32, #tpu.memory_space<vmem>>) target_semaphore(%run_scoped3A : memref<!tpu.dma_semaphore, #tpu.memory_space<semaphore_mem>>)
      %dma_wait3A = arith.constant 0 : i32
      %dma_wait3A_20 = arith.constant 0 : i32
      %dma_wait3A_21 = tpu.memref_slice %arg2[%add3A, %dma_wait3A, %dma_wait3A_20] : memref<32x80x125xi32, #tpu.memory_space<hbm>> -> memref<1x80x125xi32, #tpu.memory_space<hbm>>
      %dma_wait3A_22 = tpu.memref_squeeze %dma_wait3A_21 : memref<1x80x125xi32, #tpu.memory_space<hbm>> -> memref<80x125xi32, #tpu.memory_space<hbm>>
      %dma_wait3A_23 = arith.constant 0 : i32
      %dma_wait3A_24 = arith.constant 0 : i32
      %dma_wait3A_25 = tpu.memref_slice %arg2[%add3A, %dma_wait3A_23, %dma_wait3A_24] : memref<32x80x125xi32, #tpu.memory_space<hbm>> -> memref<1x80x125xi32, #tpu.memory_space<hbm>>
      %dma_wait3A_26 = tpu.memref_squeeze %dma_wait3A_25 : memref<1x80x125xi32, #tpu.memory_space<hbm>> -> memref<80x125xi32, #tpu.memory_space<hbm>>
      tpu.wait_dma2 semaphore(%run_scoped3A : memref<!tpu.dma_semaphore, #tpu.memory_space<semaphore_mem>>) src(%dma_wait3A_26 : memref<80x125xi32, #tpu.memory_space<hbm>>) dst(%arg6 : memref<80x125xi32, #tpu.memory_space<vmem>>)
      tpu.yield
    }) : () -> ()
    %barrier3A = arith.constant 0 : index
    tpu.barrier barrier_id(%barrier3A)
    %scan3A = arith.constant 0 : i32
    %scan3A_3 = arith.constant 80 : i32
    %scan3A_4 = arith.addi %scan3A, %scan3A_3 : i32
    %scan3A_5 = arith.constant 1 : i32
    scf.for %scan3A_13 = %scan3A to %scan3A_4 step %scan3A_5  : i32 {
      %mul3A_14 = arith.constant 1 : i32
      %mul3A_15 = arith.muli %scan3A_13, %mul3A_14 : i32
      %add3A_16 = arith.constant 0 : i32
      %add3A_17 = arith.addi %add3A_16, %mul3A_15 : i32
      "tpu.region"() ({
        %run_scoped3A = tpu.sem_alloc : memref<!tpu.dma_semaphore, #tpu.memory_space<semaphore_mem>>
        %dma_start3A = arith.constant 0 : i32
        %dma_start3A_18 = tpu.memref_slice %arg6[%add3A_17, %dma_start3A] : memref<80x125xi32, #tpu.memory_space<vmem>> -> memref<1x125xi32, #tpu.memory_space<vmem>>
        %dma_start3A_19 = tpu.memref_squeeze %dma_start3A_18 : memref<1x125xi32, #tpu.memory_space<vmem>> -> memref<125xi32, #tpu.memory_space<vmem>>
        %dma_start3A_20 = arith.constant 0 : i32
        %dma_start3A_21 = tpu.memref_slice %arg8[%dma_start3A_20] : memref<10000xf32, #tpu.memory_space<vmem_shared>> -> memref<10000xf32, #tpu.memory_space<vmem_shared>>
        tpu.enqueue_indirect_dma source(%arg7 : memref<125xf32, #tpu.memory_space<vmem>>) target(%dma_start3A_21 : memref<10000xf32, #tpu.memory_space<vmem_shared>>) offsets(%dma_start3A_19 : memref<125xi32, #tpu.memory_space<vmem>>) semaphore(%run_scoped3A : memref<!tpu.dma_semaphore, #tpu.memory_space<semaphore_mem>>) {add = true}
        %dma_wait3A = arith.constant 0 : i32
        %dma_wait3A_22 = tpu.memref_slice %arg6[%add3A_17, %dma_wait3A] : memref<80x125xi32, #tpu.memory_space<vmem>> -> memref<1x125xi32, #tpu.memory_space<vmem>>
        %dma_wait3A_23 = tpu.memref_squeeze %dma_wait3A_22 : memref<1x125xi32, #tpu.memory_space<vmem>> -> memref<125xi32, #tpu.memory_space<vmem>>
        %dma_wait3A_24 = arith.constant 0 : i32
        %dma_wait3A_25 = tpu.memref_slice %arg8[%dma_wait3A_24] : memref<10000xf32, #tpu.memory_space<vmem_shared>> -> memref<10000xf32, #tpu.memory_space<vmem_shared>>
        tpu.wait_indirect_dma semaphore(%run_scoped3A : memref<!tpu.dma_semaphore, #tpu.memory_space<semaphore_mem>>) src(%arg7 : memref<125xf32, #tpu.memory_space<vmem>>) dst(%dma_wait3A_25 : memref<10000xf32, #tpu.memory_space<vmem_shared>>)
        tpu.yield
      }) : () -> ()
    }
    %scan3A_6 = arith.constant 80 : i32
    %barrier3A_7 = arith.constant 0 : index
    tpu.barrier barrier_id(%barrier3A_7)
    %eq3A_8 = arith.constant 0 : i32
    %eq3A_9 = arith.cmpi eq, %arg1, %eq3A_8 : i32
    %convert_element_type3A_10 = arith.extui %eq3A_9 : i1 to i32
    %cond3A_11 = arith.constant 0 : i32
    %cond3A_12 = arith.cmpi ne, %convert_element_type3A_10, %cond3A_11 : i32
    scf.if %cond3A_12 {
      %run_scoped3A = arith.constant 0 : i32
      "tpu.region"() ({
        %run_scoped3A_13 = tpu.sem_alloc : memref<!tpu.dma_semaphore, #tpu.memory_space<semaphore_mem>>
        %dma_start3A = arith.constant 0 : i32
        %dma_start3A_14 = tpu.memref_slice %arg5[%arg0, %run_scoped3A, %dma_start3A] : memref<2x1x10000xf32, #tpu.memory_space<hbm>> -> memref<1x1x10000xf32, #tpu.memory_space<hbm>>
        %dma_start3A_15 = tpu.memref_squeeze %dma_start3A_14 : memref<1x1x10000xf32, #tpu.memory_space<hbm>> -> memref<10000xf32, #tpu.memory_space<hbm>>
        tpu.enqueue_dma source(%arg8 : memref<10000xf32, #tpu.memory_space<vmem_shared>>) target(%dma_start3A_15 : memref<10000xf32, #tpu.memory_space<hbm>>) target_semaphore(%run_scoped3A_13 : memref<!tpu.dma_semaphore, #tpu.memory_space<semaphore_mem>>)
        %dma_wait3A = arith.constant 0 : i32
        %dma_wait3A_16 = tpu.memref_slice %arg5[%arg0, %run_scoped3A, %dma_wait3A] : memref<2x1x10000xf32, #tpu.memory_space<hbm>> -> memref<1x1x10000xf32, #tpu.memory_space<hbm>>
        %dma_wait3A_17 = tpu.memref_squeeze %dma_wait3A_16 : memref<1x1x10000xf32, #tpu.memory_space<hbm>> -> memref<10000xf32, #tpu.memory_space<hbm>>
        tpu.wait_dma2 semaphore(%run_scoped3A_13 : memref<!tpu.dma_semaphore, #tpu.memory_space<semaphore_mem>>) src(%arg8 : memref<10000xf32, #tpu.memory_space<vmem_shared>>) dst(%dma_wait3A_17 : memref<10000xf32, #tpu.memory_space<hbm>>)
        tpu.yield
      }) : () -> ()
    } else {
    }
    return
  }
}

module attributes {stable_mosaic.version = 14 : i64} {
  func.func @body(%arg0: i32, %arg1: memref<2000x128xf32, #tpu.memory_space<vmem>>, %arg2: memref<128x128xf32, #tpu.memory_space<vmem>>, %arg3: memref<2000x2xf32, #tpu.memory_space<vmem>>, %arg4: memref<2000x128xf32, #tpu.memory_space<vmem>>) attributes {dimension_semantics = [#tpu.dimension_semantics<arbitrary>], iteration_bounds = array<i64: 5>, scalar_prefetch = 0 : i64, scratch_operands = 0 : i64, tpu.core_type = #tpu.core_type<tc>, window_params = [{transform_indices = @transform_0, window_bounds = array<i64: 2000, 128>}, {pipeline_mode = #tpu.pipeline_mode<synchronous>, transform_indices = @transform_1, window_bounds = array<i64: 128, 128>}, {transform_indices = @transform_2, window_bounds = array<i64: 2000, 2>}, {transform_indices = @transform_3, window_bounds = array<i64: 2000, 128>}]} {
    %get3A = arith.constant 0 : index
    %get3A_0 = arith.constant 0 : index
    %get3A_1 = vector.load %arg1[%get3A, %get3A_0] : memref<2000x128xf32, #tpu.memory_space<vmem>>, vector<2000x128xf32>
    %get3A_2 = arith.constant 0 : index
    %get3A_3 = arith.constant 0 : index
    %get3A_4 = vector.load %arg2[%get3A_2, %get3A_3] : memref<128x128xf32, #tpu.memory_space<vmem>>, vector<128x128xf32>
    %dot_general3A = arith.constant dense<0.000000e+00> : vector<2000x128xf32>
    %dot_general3A_5 = tpu.matmul %get3A_1, %get3A_4, %dot_general3A {dimension_numbers = #tpu.dot_dimension_numbers<[1], [0], [0], [1], [0, 0, 1, 1], [], []>, transpose_lhs_hint = false} : vector<2000x128xf32>, vector<128x128xf32>, vector<2000x128xf32> -> vector<2000x128xf32>
    %get3A_6 = arith.constant 0 : index
    %get3A_7 = arith.constant 0 : index
    %get3A_8 = vector.load %arg3[%get3A_6, %get3A_7] : memref<2000x2xf32, #tpu.memory_space<vmem>>, vector<2000x1xf32>
    %get3A_9 = vector.shape_cast %get3A_8 : vector<2000x1xf32> to vector<2000xf32>
    %add3A = arith.constant 1.000000e+00 : f32
    %add3A_10 = vector.broadcast %add3A : f32 to vector<2000xf32>
    %add3A_11 = arith.addf %add3A_10, %get3A_9 : vector<2000xf32>
    %get3A_12 = arith.constant 0 : index
    %get3A_13 = arith.constant 1 : index
    %get3A_14 = vector.load %arg3[%get3A_12, %get3A_13] : memref<2000x2xf32, #tpu.memory_space<vmem>>, vector<2000x1xf32>
    %get3A_15 = vector.shape_cast %get3A_14 : vector<2000x1xf32> to vector<2000xf32>
    %add3A_16 = arith.addf %add3A_11, %get3A_15 : vector<2000xf32>
    %rsqrt3A = math.rsqrt %add3A_16 : vector<2000xf32>
    %broadcast_in_dim3A = vector.shape_cast %rsqrt3A : vector<2000xf32> to vector<2000x1xf32>
    %mul3A = vector.broadcast %broadcast_in_dim3A : vector<2000x1xf32> to vector<2000x128xf32>
    %mul3A_17 = arith.mulf %dot_general3A_5, %mul3A : vector<2000x128xf32>
    %swap3A = arith.constant 0 : index
    %swap3A_18 = arith.constant 0 : index
    %swap3A_19 = vector.load %arg4[%swap3A, %swap3A_18] : memref<2000x128xf32, #tpu.memory_space<vmem>>, vector<2000x128xf32>
    tpu.vector_store %arg4[%swap3A, %swap3A_18], %mul3A_17 {strides = array<i32>} : memref<2000x128xf32, #tpu.memory_space<vmem>>, vector<2000x128xf32>,
    return
  }
  func.func @transform_0(%arg0: i32) -> (i32, i32) {
    %c0_i32 = arith.constant 0 : i32
    %c0_i32_0 = arith.constant 0 : i32
    return %arg0, %c0_i32 : i32, i32
  }
  func.func @transform_1(%arg0: i32) -> (i32, i32) {
    %c0_i32 = arith.constant 0 : i32
    %c0_i32_0 = arith.constant 0 : i32
    %c0_i32_1 = arith.constant 0 : i32
    return %c0_i32, %c0_i32_0 : i32, i32
  }
  func.func @transform_2(%arg0: i32) -> (i32, i32) {
    %c0_i32 = arith.constant 0 : i32
    %c0_i32_0 = arith.constant 0 : i32
    return %arg0, %c0_i32 : i32, i32
  }
  func.func @transform_3(%arg0: i32) -> (i32, i32) {
    %c0_i32 = arith.constant 0 : i32
    %c0_i32_0 = arith.constant 0 : i32
    return %arg0, %c0_i32 : i32, i32
  }
}

module attributes {stable_mosaic.version = 14 : i64} {
  func.func @body(%arg0: i32, %arg1: memref<1x2000x128xf32, #tpu.memory_space<vmem>>, %arg2: memref<1x2000x128xf32, #tpu.memory_space<vmem>>, %arg3: memref<2000x128xf32, #tpu.memory_space<vmem>>, %arg4: memref<2000x2xf32, #tpu.memory_space<vmem>>, %arg5: memref<1x128xf32, #tpu.memory_space<vmem>>, %arg6: memref<2000x128xf32, #tpu.memory_space<vmem>>) attributes {dimension_semantics = [#tpu.dimension_semantics<arbitrary>], iteration_bounds = array<i64: 5>, scalar_prefetch = 0 : i64, scratch_operands = 0 : i64, tpu.core_type = #tpu.core_type<tc>, window_params = [{transform_indices = @transform_0, window_bounds = array<i64: 1, 2000, 128>}, {transform_indices = @transform_1, window_bounds = array<i64: 1, 2000, 128>}, {transform_indices = @transform_2, window_bounds = array<i64: 2000, 128>}, {transform_indices = @transform_3, window_bounds = array<i64: 2000, 2>}, {pipeline_mode = #tpu.pipeline_mode<synchronous>, transform_indices = @transform_4, window_bounds = array<i64: 1, 128>}, {transform_indices = @transform_5, window_bounds = array<i64: 2000, 128>}]} {
    %get3A = arith.constant 0 : index
    %get3A_0 = arith.constant 0 : index
    %get3A_1 = vector.load %arg4[%get3A, %get3A_0] : memref<2000x2xf32, #tpu.memory_space<vmem>>, vector<2000x1xf32>
    %get3A_2 = vector.shape_cast %get3A_1 : vector<2000x1xf32> to vector<2000xf32>
    %add3A = arith.constant 1.000000e+00 : f32
    %add3A_3 = vector.broadcast %add3A : f32 to vector<2000xf32>
    %add3A_4 = arith.addf %add3A_3, %get3A_2 : vector<2000xf32>
    %get3A_5 = arith.constant 0 : index
    %get3A_6 = arith.constant 1 : index
    %get3A_7 = vector.load %arg4[%get3A_5, %get3A_6] : memref<2000x2xf32, #tpu.memory_space<vmem>>, vector<2000x1xf32>
    %get3A_8 = vector.shape_cast %get3A_7 : vector<2000x1xf32> to vector<2000xf32>
    %add3A_9 = arith.addf %add3A_4, %get3A_8 : vector<2000xf32>
    %rsqrt3A = math.rsqrt %add3A_9 : vector<2000xf32>
    %broadcast_in_dim3A = vector.shape_cast %rsqrt3A : vector<2000xf32> to vector<2000x1xf32>
    %get3A_10 = arith.constant 0 : index
    %get3A_11 = arith.constant 0 : index
    %get3A_12 = arith.constant 0 : index
    %get3A_13 = vector.load %arg1[%get3A_10, %get3A_11, %get3A_12] : memref<1x2000x128xf32, #tpu.memory_space<vmem>>, vector<1x2000x128xf32>
    %get3A_14 = vector.shape_cast %get3A_13 : vector<1x2000x128xf32> to vector<2000x128xf32>
    %get3A_15 = arith.constant 0 : index
    %get3A_16 = arith.constant 0 : index
    %get3A_17 = arith.constant 0 : index
    %get3A_18 = vector.load %arg2[%get3A_15, %get3A_16, %get3A_17] : memref<1x2000x128xf32, #tpu.memory_space<vmem>>, vector<1x2000x128xf32>
    %get3A_19 = vector.shape_cast %get3A_18 : vector<1x2000x128xf32> to vector<2000x128xf32>
    %add3A_20 = arith.addf %get3A_14, %get3A_19 : vector<2000x128xf32>
    %get3A_21 = arith.constant 0 : index
    %get3A_22 = arith.constant 0 : index
    %get3A_23 = vector.load %arg3[%get3A_21, %get3A_22] : memref<2000x128xf32, #tpu.memory_space<vmem>>, vector<2000x128xf32>
    %add3A_24 = arith.addf %add3A_20, %get3A_23 : vector<2000x128xf32>
    %mul3A = vector.broadcast %broadcast_in_dim3A : vector<2000x1xf32> to vector<2000x128xf32>
    %mul3A_25 = arith.mulf %add3A_24, %mul3A : vector<2000x128xf32>
    %get3A_26 = arith.constant 0 : index
    %get3A_27 = arith.constant 0 : index
    %get3A_28 = vector.load %arg5[%get3A_26, %get3A_27] : memref<1x128xf32, #tpu.memory_space<vmem>>, vector<1x128xf32>
    %add3A_29 = vector.broadcast %get3A_28 : vector<1x128xf32> to vector<2000x128xf32>
    %add3A_30 = arith.addf %mul3A_25, %add3A_29 : vector<2000x128xf32>
    %tanh3A = math.tanh %add3A_30 : vector<2000x128xf32>
    %swap3A = arith.constant 0 : index
    %swap3A_31 = arith.constant 0 : index
    %swap3A_32 = vector.load %arg6[%swap3A, %swap3A_31] : memref<2000x128xf32, #tpu.memory_space<vmem>>, vector<2000x128xf32>
    tpu.vector_store %arg6[%swap3A, %swap3A_31], %tanh3A {strides = array<i32>} : memref<2000x128xf32, #tpu.memory_space<vmem>>, vector<2000x128xf32>,
    return
  }
  func.func @transform_0(%arg0: i32) -> (i32, i32, i32) {
    %c0_i32 = arith.constant 0 : i32
    %c0_i32_0 = arith.constant 0 : i32
    %c0_i32_1 = arith.constant 0 : i32
    return %c0_i32, %arg0, %c0_i32_0 : i32, i32, i32
  }
  func.func @transform_1(%arg0: i32) -> (i32, i32, i32) {
    %c1_i32 = arith.constant 1 : i32
    %c0_i32 = arith.constant 0 : i32
    %c0_i32_0 = arith.constant 0 : i32
    return %c1_i32, %arg0, %c0_i32 : i32, i32, i32
  }
  func.func @transform_2(%arg0: i32) -> (i32, i32) {
    %c0_i32 = arith.constant 0 : i32
    %c0_i32_0 = arith.constant 0 : i32
    return %arg0, %c0_i32 : i32, i32
  }
  func.func @transform_3(%arg0: i32) -> (i32, i32) {
    %c0_i32 = arith.constant 0 : i32
    %c0_i32_0 = arith.constant 0 : i32
    return %arg0, %c0_i32 : i32, i32
  }
  func.func @transform_4(%arg0: i32) -> (i32, i32) {
    %c0_i32 = arith.constant 0 : i32
    %c0_i32_0 = arith.constant 0 : i32
    %c0_i32_1 = arith.constant 0 : i32
    return %c0_i32, %c0_i32_0 : i32, i32
  }
  func.func @transform_5(%arg0: i32) -> (i32, i32) {
    %c0_i32 = arith.constant 0 : i32
    %c0_i32_0 = arith.constant 0 : i32
    return %arg0, %c0_i32 : i32, i32
  }
}

</mosaic_0001>

<sc_bundles>
// kernel: kernel.6.cloned.1.call-start
scs
__scs_entry_jumppad:
0x0: {  	(pc) =	sbr.rel $0x88, $3  }
0x1: {  	(tag) =	ssettag $0x0;
	lr =	simm.s32 $0x1  }
0x2: {  	[smem:$0x3F9D] =	sst lr;
	_ =	strace $0xD0000000  }
0x3: {  	_ = 	snop  }
0x4: {  	_ = 	snop  }
0x5: {  	_ = 	snop  }
0x6: {  	_ = 	snop  }
0x7: {  	_ = 	snop  }
__scs_overlays_trampoline_lowered:
0x8: {  	[smem:$0x3FAC] =	sst s0  }
0x9: {  	[smem:$0x3FAD] =	sst s1  }
0xa: {  	[smem:$0x3FAE] =	sst s2  }
0xb: {  	[smem:$0x3FAF] =	sst s3  }
0xc: {  	[smem:$0x3FB0] =	sst s4  }
0xd: {  	[smem:$0x3FB1] =	sst s5  }
0xe: {  	[smem:$0x3FB2] =	sst s6  }
0xf: {  	[smem:$0x3FB3] =	sst s7  }
0x10: {  	[smem:$0x3FB4] =	sst s8  }
0x11: {  	[smem:$0x3FB5] =	sst s9;
	s0 =	simm.s32 @!p0 $0x0  }
0x12: {  	s1 =	sld [smem:$0x3F9B];
	s0 =	simm.s32 @p0 $0x1  }
0x13: {  	[smem:$0x3FB6] =	sst s0;
	s0 =	simm.s32 @!p1 $0x0  }
0x14: {  	s2 =	sld [smem:$0x3F9A];
	s0 =	simm.s32 @p1 $0x1  }
0x15: {  	[smem:$0x3FB7] =	sst s0;
	s0 =	simm.s32 @!p2 $0x0  }
0x16: {  	s3 =	sld [smem:$0x3FDB];
	s0 =	simm.s32 @p2 $0x1  }
0x17: {  	s4 =	simm.s32 $0x1BF5;
	[smem:$0x3FB9] =	sst s0  }
0x18: {  	s0 =	sld [smem:$0x3F9C];
	_ =	swait.ge [sflag:s4], $0x0  }
0x19: {  	s7 =	sld [smem:$0x3F9D]  }
0x1a: {  	s8 =	sadd.s32 $0xFFFFE003, lr  }
0x1b: {  	s9 =	sadd.s32 $0xFFFFFEF7, lr;
	s5 =	simm.s32 $0xFFFFFFFF;
	p2 =	slt.u32 s8, $0xFFFFF086  }
0x1c: {  	p1 =	slt.u32 s9, $0xF7A;
	s5 =	simm.s32 @!p2 $0x0  }
0x1d: {  	s5 =	simm.s32 @p1 $0x1;
	p0 =	seq.s32 s7, s2  }
0x1e: {  	s7 =	smul.u32 @!p0 $0xF7A, s2;
	p2 =	seq.s32 @!p0 s5, $0x0  }
0x1f: {  	s9 =	smul.u32 $0xF7A, s1;
	s8 =	simm.s32 @!p0 $0x1BF5;
	p2 =	por !p2, p0  }
0x20: {  	[sflag:s8] =	ssyncset.s32 @!p0 $0xFFFFF086;
	s6 =	sadd.s32 @!p0 s3, s7;
	s7 =	simm.s32 @!p0 $0x108  }
0x21: {  	s3 =	sadd.s32 s3, s9;
	s6 =	sadd.s32 @!p0 $0x88, s6;
	s7 =	simm.s32 @p2 $0x1082  }
0x22: {  	[simem:s7], [sflag:s8] =	dma.local @!p0 [hbm:s6], $0xF7A  }
0x23: {  	s9 =	sor.u32 $0xD0000000, s2;
	s6 =	simm.s32 $0x108;
	_ =	swait.ge @!p0 [sflag:s8], $0x0  }
0x24: {  	s3 =	sadd.s32 $0x88, s3;
	s6 =	simm.s32 @!p1 $0x1082;
	[sflag:s4] =	ssyncset.s32 $0xFFFFF086  }
0x25: {  	[simem:s6], [sflag:s4] =	dma.local [hbm:s3], $0xF7A  }
0x26: {  	[smem:$0x3F9D] =	sst s1;
	(tag) =	ssettag s2;
	_ =	strace s9  }
0x27: {  	s1 =	sld [smem:$0x3FAD]  }
0x28: {  	s2 =	sld [smem:$0x3FAE]  }
0x29: {  	s4 =	sld [smem:$0x3FB0]  }
0x2a: {  	p0 =	seq.s32 s5, $0x0;
	s5 =	sld [smem:$0x3FB1]  }
0x2b: {  	s6 =	sld [smem:$0x3FB2]  }
0x2c: {  	s7 =	sld [smem:$0x3FB3]  }
0x2d: {  	s3 =	simm.s32 $0x108;
	s8 =	sld [smem:$0x3FB4]  }
0x2e: {  	s3 =	simm.s32 @!p0 $0x1082;
	s9 =	sld [smem:$0x3FB5]  }
0x2f: {  	lr =	sadd.s32 s0, s3;
	s0 =	sld [smem:$0x3FAC]  }
0x30: {  	s3 =	sld [smem:$0x3FAF]  }
0x31: {  	[smem:$0x3FB8] =	sst s10  }
0x32: {  	s10 =	sld [smem:$0x3FB6];
	_ =	sdelay $0x3  }
0x33: {  	p0 =	seq.s32 s10, $0x1;
	s10 =	sld [smem:$0x3FB8];
	_ =	sdelay $0x3  }
0x34: {  	[smem:$0x3FB8] =	sst s10  }
0x35: {  	s10 =	sld [smem:$0x3FB7];
	_ =	sdelay $0x3  }
0x36: {  	p1 =	seq.s32 s10, $0x1;
	s10 =	sld [smem:$0x3FB8];
	_ =	sdelay $0x3  }
0x37: {  	[smem:$0x3FB8] =	sst s10  }
0x38: {  	s10 =	sld [smem:$0x3FB9]  }
0x39: {  	_ = 	snop;
	(pc) =	sbr.ind lr, $3  }
0x3a: {  	_ = 	snop  }
0x3b: {  	_ = 	snop  }
0x3c: {  	p2 =	seq.s32 s10, $0x1;
	s10 =	sld [smem:$0x3FB8]  }
0x3d: {  	_ =	shalt  }
0x3e: {  	_ =	shalt  }
0x3f: {  	_ =	shalt  }
0x40: {  	_ =	shalt  }
0x41: {  	_ =	shalt  }
0x42: {  	_ =	shalt  }
0x43: {  	_ =	shalt  }
0x44: {  	_ =	shalt  }
0x45: {  	_ =	shalt  }
0x46: {  	_ =	shalt  }
0x47: {  	_ =	shalt  }
0x48: {  	_ =	shalt  }
0x49: {  	_ =	shalt  }
0x4a: {  	_ =	shalt  }
0x4b: {  	_ =	shalt  }
0x4c: {  	_ =	shalt  }
0x4d: {  	_ =	shalt  }
0x4e: {  	_ =	shalt  }
0x4f: {  	_ =	shalt  }
0x50: {  	_ =	shalt  }
0x51: {  	_ =	shalt  }
0x52: {  	_ =	shalt  }
0x53: {  	_ =	shalt  }
0x54: {  	_ =	shalt  }
0x55: {  	_ =	shalt  }
0x56: {  	_ =	shalt  }
0x57: {  	_ =	shalt  }
0x58: {  	_ =	shalt  }
0x59: {  	_ =	shalt  }
0x5a: {  	_ =	shalt  }
0x5b: {  	_ =	shalt  }
0x5c: {  	_ =	shalt  }
0x5d: {  	_ =	shalt  }
0x5e: {  	_ =	shalt  }
0x5f: {  	_ =	shalt  }
0x60: {  	_ =	shalt  }
0x61: {  	_ =	shalt  }
0x62: {  	_ =	shalt  }
0x63: {  	_ =	shalt  }
0x64: {  	_ =	shalt  }
0x65: {  	_ =	shalt  }
0x66: {  	_ =	shalt  }
0x67: {  	_ =	shalt  }
0x68: {  	_ =	shalt  }
0x69: {  	_ =	shalt  }
0x6a: {  	_ =	shalt  }
0x6b: {  	_ =	shalt  }
0x6c: {  	_ =	shalt  }
0x6d: {  	_ =	shalt  }
0x6e: {  	_ =	shalt  }
0x6f: {  	_ =	shalt  }
0x70: {  	_ =	shalt  }
0x71: {  	_ =	shalt  }
0x72: {  	_ =	shalt  }
0x73: {  	_ =	shalt  }
0x74: {  	_ =	shalt  }
0x75: {  	_ =	shalt  }
0x76: {  	_ =	shalt  }
0x77: {  	_ =	shalt  }
0x78: {  	_ =	shalt  }
0x79: {  	_ =	shalt  }
0x7a: {  	_ =	shalt  }
0x7b: {  	_ =	shalt  }
0x7c: {  	_ =	shalt  }
0x7d: {  	_ =	shalt  }
0x7e: {  	_ =	shalt  }
0x7f: {  	_ =	shalt  }
0x80: {  	_ =	shalt  }
0x81: {  	_ =	shalt  }
0x82: {  	_ =	shalt  }
0x83: {  	_ =	shalt  }
0x84: {  	_ =	shalt  }
0x85: {  	_ =	shalt  }
0x86: {  	_ =	shalt  }
0x87: {  	_ =	shalt  }
.Lfunc_end0:
.L_simem_size_0:
called_computation_lowered:
.L_overlay_start_0:
0x88: {  	s2 =	sld [smem:$0x3FD9]  }
0x89: {  	s3 =	sld [smem:$0x3FFE];
	_ =	sdelay $0x1  }
0x8a: {  	s1 =	srdreg.scid  }
0x8b: {  	s0 =	sand.u32 $0x1, s1  }
0x8c: {  	s17 =	sshll.u32 s0, $0xA;
	s2 =	sadd.s32 s3, s2  }
0x8d: {  	s2 =	sadd.s32 s2, s17  }
0x8e: {  	[smem:$0x3FC4] =	sst s2  }
0x8f: {  	_ = 	snop  }
0x90: {  	s2 =	sld [smem:$0x3FD0];
	(tm) =	ssettm $0x1  }
0x91: {  	s18 =	sld [smem:$0x3FFB];
	_ =	sdelay $0x3  }
0x92: {  	_ =	strace s18  }
0x93: {  	s3 =	sld [smem:$0x3FFC];
	_ =	sdelay $0x3  }
0x94: {  	_ =	strace s3  }
0x95: {  	s3 =	sld [smem:$0x3FFD];
	_ =	sdelay $0x3  }
0x96: {  	_ =	strace s3  }
0x97: {  	_ =	strace $0x8FFFFFFF  }
0x98: {  	s19 =	sld [smem:$0x3FDB];
	_ =	sdelay $0x1  }
0x99: {  	s4 =	simm.s32 $_scs_section_size  }
0x9a: {  	s5 =	simm.s32 $_size__tile_overlayer_lowered;
	s6 =	simm.s32 $_tile_overlayer_lowered  }
0x9b: {  	s22 =	simm.s32 $0x1BFF;
	s21 =	sshll.u32 s6, $0x1;
	s3 =	sadd.s32 s4, s19  }
0x9c: {  	s7 =	simm.s32 $0x0;
	s20 =	sshll.u32 s5, $0x1;
	s5 =	sadd.s32 s21, s3  }
0x9d: {  	[timem:s7], [sflag:s22] =	dma.local [hbm:s5], s20  }
0x9e: {  	_ =	swait.ge [sflag:s22], s20  }
0x9f: {  	s4 =	ssub.s32 $0x0, s20;
	[sflag:s22] =	ssyncset.done $0x0  }
0xa0: {  	[sflag:s22] =	ssyncadd.s32 s4;
	_ =	sdelay $0x1  }
0xa1: {  	s23 =	simm.s32 $0x1B8B  }
0xa2: {  	_ =	swait.ge [sflag:s23], $0x1  }
0xa3: {  	[sflag:s23] =	ssyncset.done $0x0  }
0xa4: {  	s25 =	simm.s32 $0x1B8E;
	s24 =	sld [smem:$0x3FFE];
	[sflag:s23] =	ssyncadd.s32 $0xFFFFFFFF  }
0xa5: {  	s26 =	simm.s32 $execute0_lowered;
	[smem:$0x3FD2] =	sst s25  }
0xa6: {  	s5 =	sshll.u32 s26, $0x1;
	_ =	strace $0x80000046;
	[dreg:$0x1] =	wrdreg $0xFFFFFFFF  }
0xa7: {  	s28 =	simm.s32 $_size_execute0_lowered;
	s3 =	sadd.s32 s3, s5;
	[dreg:$0x0] =	wrdreg $0x0  }
0xa8: {  	s5 =	sshll.u32 s28, $0x1;
	[dreg:$0x2] =	wrdreg s3  }
0xa9: {  	[dreg:$0x3] =	wrdreg s5  }
0xaa: {  	[dreg:$0x4] =	wrdreg $0xC0  }
0xab: {  	_ =	task [dreg:s7], $0x5FFFF  }
0xac: {  	[dreg:$0x1] =	wrdreg $0xFFFFFFFF  }
0xad: {  	[dreg:$0x0] =	wrdreg $0x60  }
0xae: {  	[dreg:$0x2] =	wrdreg s2  }
0xaf: {  	[dreg:$0x3] =	wrdreg s24  }
0xb0: {  	[dreg:$0x4] =	wrdreg $0x28800  }
0xb1: {  	[dreg:$0x5] =	wrdreg $0x9  }
0xb2: {  	_ =	task.clear_ibuf [dreg:s7], $0x6FFFF;
	_ =	strace $0x90000046  }
0xb3: {  	s29 =	simm.s32 $0x9;
	_ =	strace $0x80000048  }
0xb4: {  	_ =	swait.ge [sflag:s29], $0x1  }
0xb5: {  	[sflag:s29] =	ssyncadd.s32 $0xFFFFFFFF  }
0xb6: {  	_ =	strace $0x90000048  }
0xb7: {  	_ =	sfence  }
0xb8: {  	s30 =	sld [smem:$0x0];
	_ =	sdelay $0x2  }
0xb9: {  	s31 =	sshll.u32 s1, $0xD;
	s1 =	sshrl.u32 s1, $0x2  }
0xba: {  	s3 =	sand.u32 $0x4000, s31;
	s1 =	sadd.s32 s1, s30  }
0xbb: {  	s0 =	sor.u32 s3, s0;
	s1 =	sshll.u32 s1, $0x11  }
0xbc: {  	s0 =	sor.u32 s1, s0  }
0xbd: {  	s0 =	sadd.s32 $0x8F2B, s0  }
0xbe: {  	[sflag:s0] =	ssyncadd.remote.s32 $0x1  }
0xbf: {  	_ =	sfence.sel $0xFFFF  }
0xc0: {  	[dreg:$0x0] =	wrdreg $0xFFFFFFFF;
	(pc) =	sbr.abs _section_cstart, $3  }
0xc1: {  	[dreg:$0x1] =	wrdreg $0xFFFFFFFF  }
0xc2: {  	_ =	task.clear_ibuf [dreg:s7], $0x2FFFF;
	_ =	strace $0x9FFFFFFF  }
0xc3: {  	(tm) =	ssettm $0x7FFFFFFF  }
tec
execute0_lowered:
.L_overlay_start_1:
0x0: {  	(tag) =	ssettag $0x1  }
0x1: {  	s5 =	rddreg [dreg:$0x0]  }
0x2: {  	s6 =	rddreg [dreg:$0x1]  }
0x3: {  	s1 =	rddreg [dreg:$0x2]  }
0x4: {  	s0 =	rddreg [dreg:$0x3];
	s2 =	simm.s32 $0x0  }
0x5: {  	s3 =	srdreg.scid;
	s7 =	stileid.u32;
	s12 =	simm.s32 $0x0  }
0x6: {  	[smem:$0x7FF] =	sst s2;
	s3 =	sand.u32 $0x1, s3;
	s4 =	sshll.u32 s7, $0x1  }
0x7: {  	p0 =	sne.s32 s7, $0x0;
	_ =	strace $0x80000047;
	s8 =	smul.u32 $0x4F0, s3  }
0x8: {  	s9 =	ssub.s32 $0x2, s3;
	s4 =	sor.u32 s3, s4;
	s3 =	sadd.s32 $0x1800, s6  }
0x9: {  	s10 =	sshrl.u32 s9, $0x1;
	s11 =	smul.u32 $0x500, s4;
	s4 =	sadd.s32 $0x1A00, s6  }
0xa: {  	s6 =	sadd.s32 s8, s6;
	s31 =	ssub.s32 s9, s10;
	s8 =	sshrl.u32 @!p0 s1, $0x3  }
0xb: {  	s9 =	simm.s32 $0x2800;
	s10 =	simm.s32 $0x1;
	s5 =	sadd.s32 s5, s11  }
0xc: {  	s6 =	sadd.s32 $0x2000, s6;
	s7 =	smax.u32 s31, $0x1;
	s11 =	simm.s32 $0x7D  }
.LBB2_1:
0xd: {  	s13 =	simm.s32 @!p0 $0x1C01  }
0xe: {  	[spmem:s8], [sflag:s13] =	dma.local @!p0 [hbm:s4], $0x4F0  }
0xf: {  	s13 =	simm.s32 @!p0 $0x1  }
0x10: {  	_ =	swait.ge @!p0 [sflag:s13], $0x4F0  }
0x11: {  	[sflag:s13] =	ssyncset.done @!p0 $0x0  }
0x12: {  	[sflag:s13] =	ssyncadd.s32 @!p0 $0xFFFFFB10  }
0x13: {  	[tilespmem:s9], [sflag:$0x1] =	stream.linear.gather [hbm4b:s3+s2], $0x80, $0x38;
	[tilespmem:$0x2AF8] =	vst v63  }
0x14: {  	_ =	swait.ge [sflag:s10], $0x80  }
0x15: {  	[sflag:s10] =	ssyncset.done $0x0  }
0x16: {  	[sflag:s10] =	ssyncadd.s32 $0xFFFFFF80  }
0x17: {  	[tilespmem:s2], [sflag:$0x1] =	stream.linear.gather [hbm4b:s5+s2], $0x2800, $0x38;
	[tilespmem:$0x2AF8] =	vst v63  }
0x18: {  	_ =	swait.ge [sflag:s10], $0x2800  }
0x19: {  	[sflag:s10] =	ssyncset.done $0x0  }
0x1a: {  	[sflag:s10] =	ssyncadd.s32 $0xFFFFD800  }
0x1b: {  	s31 =	simm.s32 $0x0;
	[bflag:$0x0] =	sbarrier.arrive $0xFFFF  }
0x1c: {  	[spmem:s1] =	stream.indirect.scatter.add.f32 [tilespmem:s9], [sflag:$0x1], $0x1, s31, s11, $0xb8;
	[tilespmem:$0x2AF8] =	vst v63  }
0x1d: {  	_ =	swait.ge [sflag:s10], $0x7D  }
0x1e: {  	s13 =	simm.s32 $0x200;
	[sflag:s10] =	ssyncset.done $0x0  }
.LBB2_2:
0x1f: {  	s14 =	sshra.s32 s13, $0x2;
	[sflag:s10] =	ssyncadd.s32 $0xFFFFFF83;
	p1 =	sne.s32 s13, $0x9E00  }
0x20: {  	[spmem:s1] =	stream.indirect.scatter.add.f32 [tilespmem:s9], [sflag:$0x1], $0x1, s14, s11, $0xb8;
	[tilespmem:$0x2AF8] =	vst v63  }
.Ltmp0:
0x21: {  	_ = 	snop;
	(pc) =	sbr.rel @p1 .LBB2_2-.Ltmp0, $4  }
0x22: {  	_ = 	snop  }
0x23: {  	s13 =	sadd.s32 $0x200, s13  }
0x24: {  	_ =	swait.ge [sflag:s10], $0x7D  }
0x25: {  	[sflag:s10] =	ssyncset.done $0x0  }
0x26: {  	[sflag:s10] =	ssyncadd.s32 $0xFFFFFF83;
	s12 =	sadd.s32 $0x1, s12  }
0x27: {  	s13 =	simm.s32 @!p0 $0x1C01;
	[bflag:$0x0] =	sbarrier.arrive $0xFFFF;
	p1 =	sne.s32 s12, s7  }
0x28: {  	[hbm:s6], [sflag:s13] =	dma.local @!p0 [spmem:s8], $0x4F0  }
.Ltmp1:
0x29: {  	_ = 	snop;
	(pc) =	sbr.rel @p1 .LBB2_1-.Ltmp1, $4  }
0x2a: {  	s13 =	simm.s32 @!p0 $0x1  }
0x2b: {  	_ =	swait.ge @!p0 [sflag:s13], $0x4F0  }
0x2c: {  	[sflag:s13] =	ssyncset.done @!p0 $0x0  }
0x2d: {  	[sflag:s13] =	ssyncadd.s32 @!p0 $0xFFFFFB10  }
0x2e: {  	_ =	sfence.sel $0x180000  }
0x2f: {  	[bflag:$0x0] =	sbarrier.arrive $0xFFFF  }
0x30: {  	_ =	strace $0x90000047  }
0x31: {  	s0 =	sadd.s32 @!p0 $0x100000, s0;
	[bflag:$0x2] =	sbarrier.arrive $0xFFFF  }
0x32: {  	[sflag:s0] =	ssyncadd.tile.s32 @!p0 $0x1;
	_ =	shalt  }
.Lfunc_end2:
_tile_overlayer_lowered:
.L_overlay_start_2:
0x33: {  	(tag) =	ssettag $0x2  }
0x34: {  	s0 =	rddreg [dreg:$0x0];
	s2 =	stileid.u32  }
0x35: {  	s1 =	rddreg [dreg:$0x1];
	p0 =	sne.s32 s2, $0x0  }
0x36: {  	s3 =	rddreg [dreg:$0x2];
	[bflag:$0x3] =	sbarrier.arrive $0xFFFF;
	s2 =	simm.s32 @!p0 $0x1C01  }
0x37: {  	[timem:s3], [sflag:s2] =	dma.local @!p0 [hbm:s0], s1  }
0x38: {  	s0 =	simm.s32 @!p0 $0x1  }
0x39: {  	_ =	swait.ge @!p0 [sflag:s0], s1  }
0x3a: {  	s1 =	ssub.s32 @!p0 $0x0, s1;
	[sflag:s0] =	ssyncset.done @!p0 $0x0  }
0x3b: {  	[sflag:s0] =	ssyncadd.s32 @!p0 s1  }
0x3c: {  	[bflag:$0x3] =	sbarrier.arrive $0xFFFF  }
0x3d: {  	_ =	shalt  }

// kernel: kernel.9.cloned.1.call-start
scs
__scs_entry_jumppad:
0x0: {  	(pc) =	sbr.rel $0x88, $3  }
0x1: {  	(tag) =	ssettag $0x0;
	lr =	simm.s32 $0x1  }
0x2: {  	[smem:$0x3F9D] =	sst lr;
	_ =	strace $0xD0000000  }
0x3: {  	_ = 	snop  }
0x4: {  	_ = 	snop  }
0x5: {  	_ = 	snop  }
0x6: {  	_ = 	snop  }
0x7: {  	_ = 	snop  }
__scs_overlays_trampoline_lowered:
0x8: {  	[smem:$0x3FAC] =	sst s0  }
0x9: {  	[smem:$0x3FAD] =	sst s1  }
0xa: {  	[smem:$0x3FAE] =	sst s2  }
0xb: {  	[smem:$0x3FAF] =	sst s3  }
0xc: {  	[smem:$0x3FB0] =	sst s4  }
0xd: {  	[smem:$0x3FB1] =	sst s5  }
0xe: {  	[smem:$0x3FB2] =	sst s6  }
0xf: {  	[smem:$0x3FB3] =	sst s7  }
0x10: {  	[smem:$0x3FB4] =	sst s8  }
0x11: {  	[smem:$0x3FB5] =	sst s9;
	s0 =	simm.s32 @!p0 $0x0  }
0x12: {  	s1 =	sld [smem:$0x3F9B];
	s0 =	simm.s32 @p0 $0x1  }
0x13: {  	[smem:$0x3FB6] =	sst s0;
	s0 =	simm.s32 @!p1 $0x0  }
0x14: {  	s2 =	sld [smem:$0x3F9A];
	s0 =	simm.s32 @p1 $0x1  }
0x15: {  	[smem:$0x3FB7] =	sst s0;
	s0 =	simm.s32 @!p2 $0x0  }
0x16: {  	s3 =	sld [smem:$0x3FDB];
	s0 =	simm.s32 @p2 $0x1  }
0x17: {  	s4 =	simm.s32 $0x1BF5;
	[smem:$0x3FB9] =	sst s0  }
0x18: {  	s0 =	sld [smem:$0x3F9C];
	_ =	swait.ge [sflag:s4], $0x0  }
0x19: {  	s7 =	sld [smem:$0x3F9D]  }
0x1a: {  	s8 =	sadd.s32 $0xFFFFE003, lr  }
0x1b: {  	s9 =	sadd.s32 $0xFFFFFEF7, lr;
	s5 =	simm.s32 $0xFFFFFFFF;
	p2 =	slt.u32 s8, $0xFFFFF086  }
0x1c: {  	p1 =	slt.u32 s9, $0xF7A;
	s5 =	simm.s32 @!p2 $0x0  }
0x1d: {  	s5 =	simm.s32 @p1 $0x1;
	p0 =	seq.s32 s7, s2  }
0x1e: {  	s7 =	smul.u32 @!p0 $0xF7A, s2;
	p2 =	seq.s32 @!p0 s5, $0x0  }
0x1f: {  	s9 =	smul.u32 $0xF7A, s1;
	s8 =	simm.s32 @!p0 $0x1BF5;
	p2 =	por !p2, p0  }
0x20: {  	[sflag:s8] =	ssyncset.s32 @!p0 $0xFFFFF086;
	s6 =	sadd.s32 @!p0 s3, s7;
	s7 =	simm.s32 @!p0 $0x108  }
0x21: {  	s3 =	sadd.s32 s3, s9;
	s6 =	sadd.s32 @!p0 $0x88, s6;
	s7 =	simm.s32 @p2 $0x1082  }
0x22: {  	[simem:s7], [sflag:s8] =	dma.local @!p0 [hbm:s6], $0xF7A  }
0x23: {  	s9 =	sor.u32 $0xD0000000, s2;
	s6 =	simm.s32 $0x108;
	_ =	swait.ge @!p0 [sflag:s8], $0x0  }
0x24: {  	s3 =	sadd.s32 $0x88, s3;
	s6 =	simm.s32 @!p1 $0x1082;
	[sflag:s4] =	ssyncset.s32 $0xFFFFF086  }
0x25: {  	[simem:s6], [sflag:s4] =	dma.local [hbm:s3], $0xF7A  }
0x26: {  	[smem:$0x3F9D] =	sst s1;
	(tag) =	ssettag s2;
	_ =	strace s9  }
0x27: {  	s1 =	sld [smem:$0x3FAD]  }
0x28: {  	s2 =	sld [smem:$0x3FAE]  }
0x29: {  	s4 =	sld [smem:$0x3FB0]  }
0x2a: {  	p0 =	seq.s32 s5, $0x0;
	s5 =	sld [smem:$0x3FB1]  }
0x2b: {  	s6 =	sld [smem:$0x3FB2]  }
0x2c: {  	s7 =	sld [smem:$0x3FB3]  }
0x2d: {  	s3 =	simm.s32 $0x108;
	s8 =	sld [smem:$0x3FB4]  }
0x2e: {  	s3 =	simm.s32 @!p0 $0x1082;
	s9 =	sld [smem:$0x3FB5]  }
0x2f: {  	lr =	sadd.s32 s0, s3;
	s0 =	sld [smem:$0x3FAC]  }
0x30: {  	s3 =	sld [smem:$0x3FAF]  }
0x31: {  	[smem:$0x3FB8] =	sst s10  }
0x32: {  	s10 =	sld [smem:$0x3FB6];
	_ =	sdelay $0x3  }
0x33: {  	p0 =	seq.s32 s10, $0x1;
	s10 =	sld [smem:$0x3FB8];
	_ =	sdelay $0x3  }
0x34: {  	[smem:$0x3FB8] =	sst s10  }
0x35: {  	s10 =	sld [smem:$0x3FB7];
	_ =	sdelay $0x3  }
0x36: {  	p1 =	seq.s32 s10, $0x1;
	s10 =	sld [smem:$0x3FB8];
	_ =	sdelay $0x3  }
0x37: {  	[smem:$0x3FB8] =	sst s10  }
0x38: {  	s10 =	sld [smem:$0x3FB9]  }
0x39: {  	_ = 	snop;
	(pc) =	sbr.ind lr, $3  }
0x3a: {  	_ = 	snop  }
0x3b: {  	_ = 	snop  }
0x3c: {  	p2 =	seq.s32 s10, $0x1;
	s10 =	sld [smem:$0x3FB8]  }
0x3d: {  	_ =	shalt  }
0x3e: {  	_ =	shalt  }
0x3f: {  	_ =	shalt  }
0x40: {  	_ =	shalt  }
0x41: {  	_ =	shalt  }
0x42: {  	_ =	shalt  }
0x43: {  	_ =	shalt  }
0x44: {  	_ =	shalt  }
0x45: {  	_ =	shalt  }
0x46: {  	_ =	shalt  }
0x47: {  	_ =	shalt  }
0x48: {  	_ =	shalt  }
0x49: {  	_ =	shalt  }
0x4a: {  	_ =	shalt  }
0x4b: {  	_ =	shalt  }
0x4c: {  	_ =	shalt  }
0x4d: {  	_ =	shalt  }
0x4e: {  	_ =	shalt  }
0x4f: {  	_ =	shalt  }
0x50: {  	_ =	shalt  }
0x51: {  	_ =	shalt  }
0x52: {  	_ =	shalt  }
0x53: {  	_ =	shalt  }
0x54: {  	_ =	shalt  }
0x55: {  	_ =	shalt  }
0x56: {  	_ =	shalt  }
0x57: {  	_ =	shalt  }
0x58: {  	_ =	shalt  }
0x59: {  	_ =	shalt  }
0x5a: {  	_ =	shalt  }
0x5b: {  	_ =	shalt  }
0x5c: {  	_ =	shalt  }
0x5d: {  	_ =	shalt  }
0x5e: {  	_ =	shalt  }
0x5f: {  	_ =	shalt  }
0x60: {  	_ =	shalt  }
0x61: {  	_ =	shalt  }
0x62: {  	_ =	shalt  }
0x63: {  	_ =	shalt  }
0x64: {  	_ =	shalt  }
0x65: {  	_ =	shalt  }
0x66: {  	_ =	shalt  }
0x67: {  	_ =	shalt  }
0x68: {  	_ =	shalt  }
0x69: {  	_ =	shalt  }
0x6a: {  	_ =	shalt  }
0x6b: {  	_ =	shalt  }
0x6c: {  	_ =	shalt  }
0x6d: {  	_ =	shalt  }
0x6e: {  	_ =	shalt  }
0x6f: {  	_ =	shalt  }
0x70: {  	_ =	shalt  }
0x71: {  	_ =	shalt  }
0x72: {  	_ =	shalt  }
0x73: {  	_ =	shalt  }
0x74: {  	_ =	shalt  }
0x75: {  	_ =	shalt  }
0x76: {  	_ =	shalt  }
0x77: {  	_ =	shalt  }
0x78: {  	_ =	shalt  }
0x79: {  	_ =	shalt  }
0x7a: {  	_ =	shalt  }
0x7b: {  	_ =	shalt  }
0x7c: {  	_ =	shalt  }
0x7d: {  	_ =	shalt  }
0x7e: {  	_ =	shalt  }
0x7f: {  	_ =	shalt  }
0x80: {  	_ =	shalt  }
0x81: {  	_ =	shalt  }
0x82: {  	_ =	shalt  }
0x83: {  	_ =	shalt  }
0x84: {  	_ =	shalt  }
0x85: {  	_ =	shalt  }
0x86: {  	_ =	shalt  }
0x87: {  	_ =	shalt  }
.Lfunc_end0:
.L_simem_size_0:
called_computation.1_lowered:
.L_overlay_start_0:
0x88: {  	s2 =	sld [smem:$0x3FD9]  }
0x89: {  	s3 =	sld [smem:$0x3FFE];
	_ =	sdelay $0x1  }
0x8a: {  	s1 =	srdreg.scid  }
0x8b: {  	s0 =	sand.u32 $0x1, s1  }
0x8c: {  	s17 =	sshll.u32 s0, $0xA;
	s2 =	sadd.s32 s3, s2  }
0x8d: {  	s2 =	sadd.s32 s2, s17  }
0x8e: {  	[smem:$0x3FC4] =	sst s2  }
0x8f: {  	_ = 	snop  }
0x90: {  	s2 =	sld [smem:$0x3FD0];
	(tm) =	ssettm $0x1  }
0x91: {  	s18 =	sld [smem:$0x3FFB];
	_ =	sdelay $0x3  }
0x92: {  	_ =	strace s18  }
0x93: {  	s3 =	sld [smem:$0x3FFC];
	_ =	sdelay $0x3  }
0x94: {  	_ =	strace s3  }
0x95: {  	s3 =	sld [smem:$0x3FFD];
	_ =	sdelay $0x3  }
0x96: {  	_ =	strace s3  }
0x97: {  	_ =	strace $0x8FFFFFFF  }
0x98: {  	s19 =	sld [smem:$0x3FDB];
	_ =	sdelay $0x1  }
0x99: {  	s4 =	simm.s32 $_scs_section_size  }
0x9a: {  	s5 =	simm.s32 $_size__tile_overlayer_lowered;
	s6 =	simm.s32 $_tile_overlayer_lowered  }
0x9b: {  	s22 =	simm.s32 $0x1BFF;
	s21 =	sshll.u32 s6, $0x1;
	s3 =	sadd.s32 s4, s19  }
0x9c: {  	s7 =	simm.s32 $0x0;
	s20 =	sshll.u32 s5, $0x1;
	s5 =	sadd.s32 s21, s3  }
0x9d: {  	[timem:s7], [sflag:s22] =	dma.local [hbm:s5], s20  }
0x9e: {  	_ =	swait.ge [sflag:s22], s20  }
0x9f: {  	s4 =	ssub.s32 $0x0, s20;
	[sflag:s22] =	ssyncset.done $0x0  }
0xa0: {  	[sflag:s22] =	ssyncadd.s32 s4;
	_ =	sdelay $0x1  }
0xa1: {  	s23 =	simm.s32 $0x1B8B  }
0xa2: {  	_ =	swait.ge [sflag:s23], $0x1  }
0xa3: {  	[sflag:s23] =	ssyncset.done $0x0  }
0xa4: {  	s25 =	simm.s32 $0x1B8E;
	s24 =	sld [smem:$0x3FFE];
	[sflag:s23] =	ssyncadd.s32 $0xFFFFFFFF  }
0xa5: {  	s26 =	simm.s32 $execute0_lowered;
	[smem:$0x3FD2] =	sst s25  }
0xa6: {  	s5 =	sshll.u32 s26, $0x1;
	_ =	strace $0x80000049;
	[dreg:$0x1] =	wrdreg $0xFFFFFFFF  }
0xa7: {  	s28 =	simm.s32 $_size_execute0_lowered;
	s3 =	sadd.s32 s3, s5;
	[dreg:$0x0] =	wrdreg $0x0  }
0xa8: {  	s5 =	sshll.u32 s28, $0x1;
	[dreg:$0x2] =	wrdreg s3  }
0xa9: {  	[dreg:$0x3] =	wrdreg s5  }
0xaa: {  	[dreg:$0x4] =	wrdreg $0xC0  }
0xab: {  	_ =	task [dreg:s7], $0x5FFFF  }
0xac: {  	[dreg:$0x1] =	wrdreg $0xFFFFFFFF  }
0xad: {  	[dreg:$0x0] =	wrdreg $0x60  }
0xae: {  	[dreg:$0x2] =	wrdreg s2  }
0xaf: {  	[dreg:$0x3] =	wrdreg s24  }
0xb0: {  	[dreg:$0x4] =	wrdreg $0xBA800  }
0xb1: {  	[dreg:$0x5] =	wrdreg $0x9  }
0xb2: {  	_ =	task.clear_ibuf [dreg:s7], $0x6FFFF;
	_ =	strace $0x90000049  }
0xb3: {  	s29 =	simm.s32 $0x9;
	_ =	strace $0x8000004B  }
0xb4: {  	_ =	swait.ge [sflag:s29], $0x1  }
0xb5: {  	[sflag:s29] =	ssyncadd.s32 $0xFFFFFFFF  }
0xb6: {  	_ =	strace $0x9000004B  }
0xb7: {  	_ =	sfence  }
0xb8: {  	s30 =	sld [smem:$0x0];
	_ =	sdelay $0x2  }
0xb9: {  	s31 =	sshll.u32 s1, $0xD;
	s1 =	sshrl.u32 s1, $0x2  }
0xba: {  	s3 =	sand.u32 $0x4000, s31;
	s1 =	sadd.s32 s1, s30  }
0xbb: {  	s0 =	sor.u32 s3, s0;
	s1 =	sshll.u32 s1, $0x11  }
0xbc: {  	s0 =	sor.u32 s1, s0  }
0xbd: {  	s0 =	sadd.s32 $0x8F2B, s0  }
0xbe: {  	[sflag:s0] =	ssyncadd.remote.s32 $0x1  }
0xbf: {  	_ =	sfence.sel $0xFFFF  }
0xc0: {  	[dreg:$0x0] =	wrdreg $0xFFFFFFFF;
	(pc) =	sbr.abs _section_cstart, $3  }
0xc1: {  	[dreg:$0x1] =	wrdreg $0xFFFFFFFF  }
0xc2: {  	_ =	task.clear_ibuf [dreg:s7], $0x2FFFF;
	_ =	strace $0x9FFFFFFF  }
0xc3: {  	(tm) =	ssettm $0x7FFFFFFF  }
tec
execute0_lowered:
.L_overlay_start_1:
0x0: {  	(tag) =	ssettag $0x1  }
0x1: {  	s1 =	rddreg [dreg:$0x0]  }
0x2: {  	s6 =	rddreg [dreg:$0x1]  }
0x3: {  	s3 =	rddreg [dreg:$0x2]  }
0x4: {  	s0 =	rddreg [dreg:$0x3]  }
0x5: {  	s4 =	srdreg.scid;
	s2 =	stileid.u32  }
0x6: {  	s14 =	simm.s32 $0x60;
	s15 =	simm.s32 $0x2780;
	s16 =	simm.s32 $0x2A80  }
0x7: {  	s17 =	simm.s32 $0x2800;
	s18 =	simm.s32 $0x5A80;
	s19 =	simm.s32 $0x2880  }
0x8: {  	s20 =	simm.s32 $0x8A80;
	s21 =	simm.s32 $0x1;
	s22 =	simm.s32 $0x2900  }
0x9: {  	s23 =	simm.s32 $0x2980;
	s24 =	simm.s32 $0x2A00;
	s25 =	simm.s32 $0x2  }
0xa: {  	s7 =	sand.u32 $0x1, s4;
	s26 =	sshrl.u32 s2, $0x2;
	s29 =	smul.u32 $0x14000, s2  }
0xb: {  	s5 =	sshll.u32 s2, $0x8;
	s4 =	simm.s32 $0x0;
	s30 =	smul.u32 $0x50000, s2  }
0xc: {  	s12 =	sshll.u32 s2, $0x6;
	s8 =	smul.u32 $0x13C00, s26;
	s9 =	sshll.u32 s7, $0x7  }
0xd: {  	s5 =	sand.u32 $0x300, s5;
	s28 =	smul.u32 $0x140000, s7;
	[smem:$0x7FF] =	sst s4  }
0xe: {  	s7 =	ssub.s32 $0x2, s7;
	s12 =	sor.u32 $0x1C03, s12;
	s26 =	simm.s32 $0x0  }
0xf: {  	s5 =	sor.u32 s9, s5;
	_ =	strace $0x8000004A;
	s31 =	sshrl.u32 s7, $0x1  }
0x10: {  	s9 =	sshrl.u32 s30, $0x2;
	s5 =	sor.u32 s8, s5;
	s8 =	sadd.s32 s29, s28  }
.Ltmp0:
0x11: {  	s11 =	ssub.s32 s7, s31;
	s13 =	sadd.s32 s9, s3;
	(pc) =	sbr.rel .LBB2_1-.Ltmp0, $4  }
0x12: {  	s9 =	simm.s32 $0x80;
	s5 =	sshrl.u32 s5, $0x3;
	s8 =	sshrl.u32 s8, $0x3  }
0x13: {  	s13 =	sshrl.u32 s13, $0x3;
	s10 =	sadd.s32 s5, s6;
	s8 =	sadd.s32 s8, s6  }
0x14: {  	s5 =	sadd.s32 $0xC800, s6;
	s6 =	sadd.s32 $0x2A00, s10;
	s7 =	sadd.s32 $0xF000, s8  }
0x15: {  	s8 =	smax.u32 s11, $0x1;
	s10 =	simm.s32 $0x400;
	s11 =	simm.s32 $0x3  }
.LBB2_4:
0x16: {  	_ =	swait.ge [sflag:s25], $0x3000  }
0x17: {  	[sflag:s25] =	ssyncset.done $0x0  }
0x18: {  	[sflag:s25] =	ssyncadd.s32 $0xFFFFD000  }
0x19: {  	_ =	swait.ge [sflag:s25], $0x3000  }
0x1a: {  	s26 =	sadd.s32 $0x1, s26;
	[sflag:s25] =	ssyncset.done $0x0  }
0x1b: {  	p0 =	sne.s32 s26, s8;
	[sflag:s25] =	ssyncadd.s32 $0xFFFFD000  }
.Ltmp1:
0x1c: {  	[bflag:$0x0] =	sbarrier.arrive $0xFFFF;
	(pc) =	sbr.rel @!p0 .LBB2_5-.Ltmp1, $4  }
0x1d: {  	[hbm:s7], [sflag:s12] =	dma.local [spmem:s13], $0x2800  }
0x1e: {  	_ =	swait.ge [sflag:s11], $0x2800  }
0x1f: {  	[sflag:s11] =	ssyncset.done $0x0  }
0x20: {  	[sflag:s11] =	ssyncadd.s32 $0xFFFFD800  }
.LBB2_1:
0x21: {  	[tilespmem:s4], [sflag:$0x3] =	stream.strided.gather [hbm4b:s6+s9], $0x2780, s10, s9, $0x38;
	[tilespmem:$0x1FA80] =	vst v63  }
0x22: {  	_ =	swait.ge [sflag:s11], $0x2780  }
0x23: {  	[sflag:s11] =	ssyncset.done $0x0  }
0x24: {  	[sflag:s11] =	ssyncadd.s32 $0xFFFFD880  }
0x25: {  	[spmem:s13], [sflag:s12] =	dma.local [hbm:s5], $0x2800  }
0x26: {  	_ =	swait.ge [sflag:s11], $0x2800  }
0x27: {  	[sflag:s11] =	ssyncset.done $0x0  }
0x28: {  	[sflag:s11] =	ssyncadd.s32 $0xFFFFD800  }
0x29: {  	[bflag:$0x0] =	sbarrier.arrive $0xFFFF  }
0x2a: {  	v0 =	vld [tilespmem:$0x0];
	_ =	sdelay $0x1  }
0x2b: {  	v1 =	vld [tilespmem:$0x10];
	_ =	sdelay $0x1  }
0x2c: {  	v2 =	vld [tilespmem:$0x20]  }
0x2d: {  	v3 =	vshrl.u32 v0, $0xE  }
0x2e: {  	v17 =	vld [tilespmem:$0x30];
	v0 =	vand.u32 $0x3FFF, v0;
	[tilespmem:$0x2780] =	vst v3  }
0x2f: {  	v18 =	vshrl.u32 v1, $0xE;
	[tilespmem:$0x2900] =	vst v0  }
0x30: {  	v20 =	vld [tilespmem:$0x40];
	v19 =	vand.u32 $0x3FFF, v1;
	[tilespmem:$0x2790] =	vst v18  }
0x31: {  	v21 =	vshrl.u32 v2, $0xE;
	[tilespmem:$0x2910] =	vst v19  }
0x32: {  	v23 =	vld [tilespmem:$0x50];
	v22 =	vand.u32 $0x3FFF, v2;
	[tilespmem:$0x27A0] =	vst v21  }
0x33: {  	v24 =	vshrl.u32 v17, $0xE;
	[tilespmem:$0x2920] =	vst v22  }
0x34: {  	v25 =	vand.u32 $0x3FFF, v17;
	[tilespmem:$0x27B0] =	vst v24  }
0x35: {  	v26 =	vshrl.u32 v20, $0xE;
	[tilespmem:$0x2930] =	vst v25  }
0x36: {  	v27 =	vand.u32 $0x3FFF, v20;
	[tilespmem:$0x27C0] =	vst v26  }
0x37: {  	v28 =	vshrl.u32 v23, $0xE;
	[tilespmem:$0x2940] =	vst v27  }
0x38: {  	v29 =	vand.u32 $0x3FFF, v23;
	[tilespmem:$0x27D0] =	vst v28  }
0x39: {  	[tilespmem:$0x2950] =	vst v29  }
0x3a: {  	[tilespmem:s16], [sflag:$0x1] =	stream.indirect.gather [hbm4b:s1+s14], $0x80, s15, s14, $0xb8;
	[tilespmem:$0x1FA80] =	vst v63  }
0x3b: {  	v30 =	vld [tilespmem:$0x60];
	_ =	sdelay $0x1  }
0x3c: {  	v31 =	vld [tilespmem:$0x70];
	_ =	sdelay $0x1  }
0x3d: {  	v32 =	vld [tilespmem:$0x80]  }
0x3e: {  	v33 =	vshrl.u32 v30, $0xE  }
0x3f: {  	v34 =	vld [tilespmem:$0x90];
	v0 =	vand.u32 $0x3FFF, v30;
	[tilespmem:$0x2800] =	vst v33  }
0x40: {  	v35 =	vshrl.u32 v31, $0xE;
	[tilespmem:$0x2980] =	vst v0  }
0x41: {  	v37 =	vld [tilespmem:$0xA0];
	v36 =	vand.u32 $0x3FFF, v31;
	[tilespmem:$0x2810] =	vst v35  }
0x42: {  	v38 =	vshrl.u32 v32, $0xE;
	[tilespmem:$0x2990] =	vst v36  }
0x43: {  	v40 =	vld [tilespmem:$0xB0];
	v39 =	vand.u32 $0x3FFF, v32;
	[tilespmem:$0x2820] =	vst v38  }
0x44: {  	v41 =	vshrl.u32 v34, $0xE;
	[tilespmem:$0x29A0] =	vst v39  }
0x45: {  	v42 =	vand.u32 $0x3FFF, v34;
	[tilespmem:$0x2830] =	vst v41  }
0x46: {  	v43 =	vshrl.u32 v37, $0xE;
	[tilespmem:$0x29B0] =	vst v42  }
0x47: {  	v44 =	vand.u32 $0x3FFF, v37;
	[tilespmem:$0x2840] =	vst v43  }
0x48: {  	v45 =	vshrl.u32 v40, $0xE;
	[tilespmem:$0x29C0] =	vst v44  }
0x49: {  	v46 =	vand.u32 $0x3FFF, v40;
	[tilespmem:$0x2850] =	vst v45  }
0x4a: {  	[tilespmem:$0x29D0] =	vst v46  }
0x4b: {  	[tilespmem:s18], [sflag:$0x1] =	stream.indirect.gather [hbm4b:s1+s14], $0x80, s17, s14, $0xb8;
	[tilespmem:$0x1FA80] =	vst v63  }
0x4c: {  	v47 =	vld [tilespmem:$0xC0];
	_ =	sdelay $0x1  }
0x4d: {  	v48 =	vld [tilespmem:$0xD0];
	_ =	sdelay $0x1  }
0x4e: {  	v49 =	vld [tilespmem:$0xE0]  }
0x4f: {  	v50 =	vshrl.u32 v47, $0xE  }
0x50: {  	v51 =	vld [tilespmem:$0xF0];
	v0 =	vand.u32 $0x3FFF, v47;
	[tilespmem:$0x2880] =	vst v50  }
0x51: {  	v52 =	vshrl.u32 v48, $0xE;
	[tilespmem:$0x2A00] =	vst v0  }
0x52: {  	v54 =	vld [tilespmem:$0x100];
	v53 =	vand.u32 $0x3FFF, v48;
	[tilespmem:$0x2890] =	vst v52  }
0x53: {  	v55 =	vshrl.u32 v49, $0xE;
	[tilespmem:$0x2A10] =	vst v53  }
0x54: {  	v57 =	vld [tilespmem:$0x110];
	v56 =	vand.u32 $0x3FFF, v49;
	[tilespmem:$0x28A0] =	vst v55  }
0x55: {  	v58 =	vshrl.u32 v51, $0xE;
	[tilespmem:$0x2A20] =	vst v56  }
0x56: {  	v59 =	vand.u32 $0x3FFF, v51;
	[tilespmem:$0x28B0] =	vst v58  }
0x57: {  	v60 =	vshrl.u32 v54, $0xE;
	[tilespmem:$0x2A30] =	vst v59  }
0x58: {  	v61 =	vand.u32 $0x3FFF, v54;
	[tilespmem:$0x28C0] =	vst v60  }
0x59: {  	v62 =	vshrl.u32 v57, $0xE;
	[tilespmem:$0x2A40] =	vst v61  }
0x5a: {  	v63 =	vand.u32 $0x3FFF, v57;
	[tilespmem:$0x28D0] =	vst v62  }
0x5b: {  	s28 =	simm.s32 $0x8C0;
	[tilespmem:$0x2A50] =	vst v63  }
0x5c: {  	[tilespmem:s20], [sflag:$0x1] =	stream.indirect.gather [hbm4b:s1+s14], $0x80, s19, s14, $0xb8;
	[tilespmem:$0x1FA80] =	vst v63  }
.LBB2_2:
0x5d: {  	_ =	swait.ge [sflag:s21], $0x3000  }
0x5e: {  	[sflag:s21] =	ssyncset.done $0x0  }
0x5f: {  	[sflag:s21] =	ssyncadd.s32 $0xFFFFD000  }
0x60: {  	[spmem:s3] =	stream.indirect.scatter.add.f32 [tilespmem:s16], [sflag:$0x2], $0x80, s22, s14, $0xb8;
	[tilespmem:$0x1FA80] =	vst v63  }
0x61: {  	_ =	swait.ge [sflag:s21], $0x3000  }
0x62: {  	[sflag:s21] =	ssyncset.done $0x0  }
0x63: {  	[sflag:s21] =	ssyncadd.s32 $0xFFFFD000  }
0x64: {  	[spmem:s3] =	stream.indirect.scatter.add.f32 [tilespmem:s18], [sflag:$0x2], $0x80, s23, s14, $0xb8;
	[tilespmem:$0x1FA80] =	vst v63  }
0x65: {  	_ =	swait.ge [sflag:s21], $0x3000  }
0x66: {  	p0 =	seq.s32 s28, $0xA1C0;
	[sflag:s21] =	ssyncset.done $0x0  }
.Ltmp2:
0x67: {  	[sflag:s21] =	ssyncadd.s32 $0xFFFFD000;
	(pc) =	sbr.rel @p0 .LBB2_4-.Ltmp2, $4  }
0x68: {  	[spmem:s3] =	stream.indirect.scatter.add.f32 [tilespmem:s20], [sflag:$0x2], $0x80, s24, s14, $0xb8;
	[tilespmem:$0x1FA80] =	vst v63  }
0x69: {  	_ =	swait.ge [sflag:s25], $0x3000  }
0x6a: {  	[sflag:s25] =	ssyncset.done $0x0  }
0x6b: {  	[sflag:s25] =	ssyncadd.s32 $0xFFFFD000  }
0x6c: {  	s29 =	sshra.s32 s28, $0x2  }
0x6d: {  	v0 =	vld [tilespmem:s29+$0xFFFFFEF0];
	_ =	sdelay $0x4  }
0x6e: {  	v1 =	vshrl.u32 v0, $0xE  }
0x6f: {  	v0 =	vand.u32 $0x3FFF, v0;
	[tilespmem:$0x2780] =	vst v1  }
0x70: {  	[tilespmem:$0x2900] =	vst v0  }
0x71: {  	v0 =	vld [tilespmem:s29+$0xFFFFFF00];
	_ =	sdelay $0x4  }
0x72: {  	v45 =	vshrl.u32 v0, $0xE  }
0x73: {  	v0 =	vand.u32 $0x3FFF, v0;
	[tilespmem:$0x2790] =	vst v45  }
0x74: {  	[tilespmem:$0x2910] =	vst v0  }
0x75: {  	v0 =	vld [tilespmem:s29+$0xFFFFFF10];
	_ =	sdelay $0x4  }
0x76: {  	v46 =	vshrl.u32 v0, $0xE  }
0x77: {  	v0 =	vand.u32 $0x3FFF, v0;
	[tilespmem:$0x27A0] =	vst v46  }
0x78: {  	[tilespmem:$0x2920] =	vst v0  }
0x79: {  	v0 =	vld [tilespmem:s29+$0xFFFFFF20];
	_ =	sdelay $0x4  }
0x7a: {  	v47 =	vshrl.u32 v0, $0xE  }
0x7b: {  	v0 =	vand.u32 $0x3FFF, v0;
	[tilespmem:$0x27B0] =	vst v47  }
0x7c: {  	[tilespmem:$0x2930] =	vst v0  }
0x7d: {  	v0 =	vld [tilespmem:s29+$0xFFFFFF30];
	_ =	sdelay $0x4  }
0x7e: {  	v48 =	vshrl.u32 v0, $0xE  }
0x7f: {  	v0 =	vand.u32 $0x3FFF, v0;
	[tilespmem:$0x27C0] =	vst v48  }
0x80: {  	[tilespmem:$0x2940] =	vst v0  }
0x81: {  	v0 =	vld [tilespmem:s29+$0xFFFFFF40];
	_ =	sdelay $0x4  }
0x82: {  	v49 =	vshrl.u32 v0, $0xE  }
0x83: {  	v0 =	vand.u32 $0x3FFF, v0;
	[tilespmem:$0x27D0] =	vst v49  }
0x84: {  	[tilespmem:$0x2950] =	vst v0  }
0x85: {  	[tilespmem:s16], [sflag:$0x1] =	stream.indirect.gather [hbm4b:s1+s14], $0x80, s15, s14, $0xb8;
	[tilespmem:$0x1FA80] =	vst v63  }
0x86: {  	_ =	swait.ge [sflag:s25], $0x3000  }
0x87: {  	[sflag:s25] =	ssyncset.done $0x0  }
0x88: {  	[sflag:s25] =	ssyncadd.s32 $0xFFFFD000  }
0x89: {  	v50 =	vld [tilespmem:s29+$0xFFFFFF50];
	_ =	sdelay $0x4  }
0x8a: {  	v51 =	vshrl.u32 v50, $0xE  }
0x8b: {  	v0 =	vand.u32 $0x3FFF, v50;
	[tilespmem:$0x2800] =	vst v51  }
0x8c: {  	[tilespmem:$0x2980] =	vst v0  }
0x8d: {  	v0 =	vld [tilespmem:s29+$0xFFFFFF60];
	_ =	sdelay $0x4  }
0x8e: {  	v52 =	vshrl.u32 v0, $0xE  }
0x8f: {  	v0 =	vand.u32 $0x3FFF, v0;
	[tilespmem:$0x2810] =	vst v52  }
0x90: {  	[tilespmem:$0x2990] =	vst v0  }
0x91: {  	v0 =	vld [tilespmem:s29+$0xFFFFFF70];
	_ =	sdelay $0x4  }
0x92: {  	v53 =	vshrl.u32 v0, $0xE  }
0x93: {  	v0 =	vand.u32 $0x3FFF, v0;
	[tilespmem:$0x2820] =	vst v53  }
0x94: {  	[tilespmem:$0x29A0] =	vst v0  }
0x95: {  	v0 =	vld [tilespmem:s29+$0xFFFFFF80];
	_ =	sdelay $0x4  }
0x96: {  	v54 =	vshrl.u32 v0, $0xE  }
0x97: {  	v0 =	vand.u32 $0x3FFF, v0;
	[tilespmem:$0x2830] =	vst v54  }
0x98: {  	[tilespmem:$0x29B0] =	vst v0  }
0x99: {  	v0 =	vld [tilespmem:s29+$0xFFFFFF90];
	_ =	sdelay $0x4  }
0x9a: {  	v55 =	vshrl.u32 v0, $0xE  }
0x9b: {  	v0 =	vand.u32 $0x3FFF, v0;
	[tilespmem:$0x2840] =	vst v55  }
0x9c: {  	[tilespmem:$0x29C0] =	vst v0  }
0x9d: {  	v0 =	vld [tilespmem:s29+$0xFFFFFFA0];
	_ =	sdelay $0x4  }
0x9e: {  	v56 =	vshrl.u32 v0, $0xE  }
0x9f: {  	v0 =	vand.u32 $0x3FFF, v0;
	[tilespmem:$0x2850] =	vst v56  }
0xa0: {  	[tilespmem:$0x29D0] =	vst v0  }
0xa1: {  	[tilespmem:s18], [sflag:$0x1] =	stream.indirect.gather [hbm4b:s1+s14], $0x80, s17, s14, $0xb8;
	[tilespmem:$0x1FA80] =	vst v63  }
0xa2: {  	_ =	swait.ge [sflag:s25], $0x3000  }
0xa3: {  	[sflag:s25] =	ssyncset.done $0x0  }
0xa4: {  	[sflag:s25] =	ssyncadd.s32 $0xFFFFD000  }
0xa5: {  	v57 =	vld [tilespmem:s29+$0xFFFFFFB0];
	_ =	sdelay $0x4  }
0xa6: {  	v58 =	vshrl.u32 v57, $0xE  }
0xa7: {  	v0 =	vand.u32 $0x3FFF, v57;
	[tilespmem:$0x2880] =	vst v58  }
0xa8: {  	[tilespmem:$0x2A00] =	vst v0  }
0xa9: {  	v0 =	vld [tilespmem:s29+$0xFFFFFFC0];
	_ =	sdelay $0x4  }
0xaa: {  	v59 =	vshrl.u32 v0, $0xE  }
0xab: {  	v0 =	vand.u32 $0x3FFF, v0;
	[tilespmem:$0x2890] =	vst v59  }
0xac: {  	[tilespmem:$0x2A10] =	vst v0  }
0xad: {  	v0 =	vld [tilespmem:s29+$0xFFFFFFD0];
	_ =	sdelay $0x4  }
0xae: {  	v60 =	vshrl.u32 v0, $0xE  }
0xaf: {  	v0 =	vand.u32 $0x3FFF, v0;
	[tilespmem:$0x28A0] =	vst v60  }
0xb0: {  	[tilespmem:$0x2A20] =	vst v0  }
0xb1: {  	v0 =	vld [tilespmem:s29+$0xFFFFFFE0];
	_ =	sdelay $0x4  }
0xb2: {  	v61 =	vshrl.u32 v0, $0xE  }
0xb3: {  	v0 =	vand.u32 $0x3FFF, v0;
	[tilespmem:$0x28B0] =	vst v61  }
0xb4: {  	[tilespmem:$0x2A30] =	vst v0  }
0xb5: {  	v0 =	vld [tilespmem:s29+$0xFFFFFFF0];
	_ =	sdelay $0x4  }
0xb6: {  	v62 =	vshrl.u32 v0, $0xE  }
0xb7: {  	v0 =	vand.u32 $0x3FFF, v0;
	[tilespmem:$0x28C0] =	vst v62  }
0xb8: {  	[tilespmem:$0x2A40] =	vst v0  }
0xb9: {  	v0 =	vld [tilespmem:s29+$0x0];
	_ =	sdelay $0x3  }
.Ltmp3:
0xba: {  	_ = 	snop;
	(pc) =	sbr.rel .LBB2_2-.Ltmp3, $4  }
0xbb: {  	v63 =	vshrl.u32 v0, $0xE  }
0xbc: {  	v0 =	vand.u32 $0x3FFF, v0;
	[tilespmem:$0x28D0] =	vst v63  }
0xbd: {  	s28 =	sadd.s32 $0x480, s28;
	[tilespmem:$0x2A50] =	vst v0  }
0xbe: {  	[tilespmem:s20], [sflag:$0x1] =	stream.indirect.gather [hbm4b:s1+s14], $0x80, s19, s14, $0xb8;
	[tilespmem:$0x1FA80] =	vst v63  }
.LBB2_5:
0xbf: {  	_ =	sfence.sel $0x180000  }
0xc0: {  	[bflag:$0x0] =	sbarrier.arrive $0xFFFF  }
0xc1: {  	p0 =	sne.s32 s2, $0x0;
	_ =	strace $0x9000004A  }
0xc2: {  	s0 =	sadd.s32 @!p0 $0x100000, s0;
	[bflag:$0x2] =	sbarrier.arrive $0xFFFF  }
0xc3: {  	[sflag:s0] =	ssyncadd.tile.s32 @!p0 $0x1;
	_ =	shalt  }
.Lfunc_end2:
_tile_overlayer_lowered:
.L_overlay_start_2:
0xc4: {  	(tag) =	ssettag $0x2  }
0xc5: {  	s0 =	rddreg [dreg:$0x0];
	s2 =	stileid.u32  }
0xc6: {  	s1 =	rddreg [dreg:$0x1];
	p0 =	sne.s32 s2, $0x0  }
0xc7: {  	s3 =	rddreg [dreg:$0x2];
	[bflag:$0x3] =	sbarrier.arrive $0xFFFF;
	s2 =	simm.s32 @!p0 $0x1C03  }
0xc8: {  	[timem:s3], [sflag:s2] =	dma.local @!p0 [hbm:s0], s1  }
0xc9: {  	s0 =	simm.s32 @!p0 $0x3  }
0xca: {  	_ =	swait.ge @!p0 [sflag:s0], s1  }
0xcb: {  	s1 =	ssub.s32 @!p0 $0x0, s1;
	[sflag:s0] =	ssyncset.done @!p0 $0x0  }
0xcc: {  	[sflag:s0] =	ssyncadd.s32 @!p0 s1  }
0xcd: {  	[bflag:$0x3] =	sbarrier.arrive $0xFFFF  }
0xce: {  	_ =	shalt  }

</sc_bundles>
